<compile_context>
chip_gen: v7x
topology: tpu7x:2x2x1
jax: 0.10.2.dev20260603
libtpu: 0.0.44.dev20260713+nightly
codegen_flags: <defaults>
</compile_context>

<pallas_src>
import jax
import jax.numpy as jnp
from jax.experimental import pallas as pl
from jax.experimental.pallas import tpu as pltpu

_T, _D, _E, _K, _I = 2048, 768, 64, 8, 6144
_H = _I // 2
_FB = 512
_NF = _H // _FB
_B = 128
_GMAX = _T * _K // _B + _E


def _gating_kernel(x_ref, wg_ref, eidx_ref, p_ref):
    x = x_ref[...]
    wg = wg_ref[...]
    logits = jax.lax.dot_general(
        x, wg, (((1,), (1,)), ((), ())), preferred_element_type=jnp.float32)
    m = jnp.max(logits, axis=1, keepdims=True)
    ex = jnp.exp(logits - m)
    gates = ex / jnp.sum(ex, axis=1, keepdims=True)

    g = gates
    iota = jax.lax.broadcasted_iota(jnp.int32, (_T, _E), 1)
    iota_k = jax.lax.broadcasted_iota(jnp.int32, (_T, _K), 1)
    eidx = jnp.zeros((_T, _K), jnp.int32)
    tops = jnp.zeros((_T, _K), jnp.float32)
    topsum = jnp.zeros((_T, 1), jnp.float32)
    for k in range(_K):
        mx = jnp.max(g, axis=1, keepdims=True)
        sel = g == mx
        first = jnp.min(jnp.where(sel, iota, _E), axis=1, keepdims=True)
        onehot = iota == first
        eidx = jnp.where(iota_k == k, first, eidx)
        tops = jnp.where(iota_k == k, mx, tops)
        topsum = topsum + mx
        g = jnp.where(onehot, -jnp.inf, g)
    denom = jnp.maximum(topsum, jnp.finfo(jnp.float32).eps)
    eidx_ref[...] = eidx
    p_ref[...] = tops / denom


def _moe_kernel(e_sm, a_sm, x_ref, toks_ref, tokl_ref, w_ref,
                wgate_ref, wup_ref, wdn_ref, out_ref):
    f = pl.program_id(0)
    g = pl.program_id(1)

    @pl.when(jnp.logical_and(f == 0, g == 0))
    def _():
        out_ref[...] = jnp.zeros_like(out_ref)

    @pl.when(a_sm[g] == 1)
    def _():
        x = x_ref[...]
        tok_col = toks_ref[0]
        iota_l = jax.lax.broadcasted_iota(jnp.int32, (_B, _T), 1)
        gather_m = (iota_l == tok_col).astype(jnp.float32)
        xs = jax.lax.dot(gather_m, x, preferred_element_type=jnp.float32)

        xs_b = xs.astype(jnp.bfloat16)
        x1 = jax.lax.dot(xs_b, wgate_ref[0].astype(jnp.bfloat16),
                         preferred_element_type=jnp.float32)
        x2 = jax.lax.dot(xs_b, wup_ref[0].astype(jnp.bfloat16),
                         preferred_element_type=jnp.float32)
        act = x1 * (x2 * jax.nn.sigmoid(x2))
        ys = jax.lax.dot(act.astype(jnp.bfloat16),
                         wdn_ref[0].astype(jnp.bfloat16),
                         preferred_element_type=jnp.float32)

        tok_row = tokl_ref[0]
        w_row = w_ref[0]
        iota_s = jax.lax.broadcasted_iota(jnp.int32, (_T, _B), 0)
        scatter_m = jnp.where(iota_s == tok_row, w_row, 0.0)
        out_ref[...] += jax.lax.dot(scatter_m, ys,
                                    preferred_element_type=jnp.float32)


def _shared_kernel(x_ref, wg_ref, wu_ref, wd_ref, out_ref):
    f = pl.program_id(0)

    @pl.when(f == 0)
    def _():
        out_ref[...] = jnp.zeros_like(out_ref)

    x = x_ref[...].astype(jnp.bfloat16)
    x1 = jax.lax.dot(x, wg_ref[...].astype(jnp.bfloat16),
                     preferred_element_type=jnp.float32)
    x2 = jax.lax.dot(x, wu_ref[...].astype(jnp.bfloat16),
                     preferred_element_type=jnp.float32)
    act = x1 * (x2 * jax.nn.sigmoid(x2))
    out_ref[...] += jax.lax.dot(act.astype(jnp.bfloat16),
                                wd_ref[...].astype(jnp.bfloat16),
                                preferred_element_type=jnp.float32)


def kernel(x, wg, W_gu_shared, W_down_shared, W_gu_exp, W_down_exp):
    eidx, p = pl.pallas_call(
        _gating_kernel,
        out_shape=(jax.ShapeDtypeStruct((_T, _K), jnp.int32),
                   jax.ShapeDtypeStruct((_T, _K), jnp.float32)),
    )(x, wg)

    ei = eidx.reshape(-1)
    wf = p.reshape(-1)
    tok = jnp.arange(_T * _K, dtype=jnp.int32) // _K
    order = jnp.argsort(ei)
    tok_sorted = tok[order]
    w_sorted = wf[order]
    counts = jnp.bincount(ei, length=_E)
    offs = jnp.cumsum(counts) - counts
    nblk = (counts + _B - 1) // _B
    cumblk = jnp.cumsum(nblk)
    total = cumblk[_E - 1]
    gidx = jnp.arange(_GMAX, dtype=jnp.int32)
    gc = jnp.minimum(gidx, total - 1)
    e_g = jnp.searchsorted(cumblk, gc, side='right').astype(jnp.int32)
    active = (gidx < total).astype(jnp.int32)
    row0 = offs[e_g] + (gc - (cumblk[e_g] - nblk[e_g])) * _B
    rows = row0[:, None] + jnp.arange(_B, dtype=jnp.int32)[None, :]
    valid = (rows < (offs[e_g] + counts[e_g])[:, None]) & (active[:, None] == 1)
    safe = jnp.where(valid, rows, 0)
    tok_blk = tok_sorted[safe].astype(jnp.int32)
    w_blk = jnp.where(valid, w_sorted[safe], 0.0)

    hw = _H // 2
    moe_out = pl.pallas_call(
        _moe_kernel,
        grid_spec=pltpu.PrefetchScalarGridSpec(
            num_scalar_prefetch=2,
            grid=(2, _GMAX),
            in_specs=[
                pl.BlockSpec((_T, _D), lambda f, g, es, as_: (0, 0)),
                pl.BlockSpec((1, _B, 1), lambda f, g, es, as_: (g, 0, 0)),
                pl.BlockSpec((1, 1, _B), lambda f, g, es, as_: (g, 0, 0)),
                pl.BlockSpec((1, 1, _B), lambda f, g, es, as_: (g, 0, 0)),
                pl.BlockSpec((1, _D, hw),
                             lambda f, g, es, as_: (es[g], 0, f)),
                pl.BlockSpec((1, _D, hw),
                             lambda f, g, es, as_: (es[g], 0, 2 + f)),
                pl.BlockSpec((1, hw, _D),
                             lambda f, g, es, as_: (es[g], f, 0)),
            ],
            out_specs=pl.BlockSpec((_T, _D), lambda f, g, es, as_: (0, 0)),
        ),
        out_shape=jax.ShapeDtypeStruct((_T, _D), jnp.float32),
        compiler_params=pltpu.CompilerParams(
            dimension_semantics=("arbitrary", "arbitrary")),
    )(e_g, active, x, tok_blk.reshape(_GMAX, _B, 1),
      tok_blk.reshape(_GMAX, 1, _B), w_blk.reshape(_GMAX, 1, _B),
      W_gu_exp, W_gu_exp, W_down_exp)

    shared_out = pl.pallas_call(
        _shared_kernel,
        grid=(_NF,),
        in_specs=[
            pl.BlockSpec((_T, _D), lambda f: (0, 0)),
            pl.BlockSpec((_D, _FB), lambda f: (0, f)),
            pl.BlockSpec((_D, _FB), lambda f: (0, _NF + f)),
            pl.BlockSpec((_FB, _D), lambda f: (f, 0)),
        ],
        out_specs=pl.BlockSpec((_T, _D), lambda f: (0, 0)),
        out_shape=jax.ShapeDtypeStruct((_T, _D), jnp.float32),
    )(x, W_gu_shared, W_gu_shared, W_down_shared)

    return moe_out + shared_out

# --- scband reference (transcript-rebuilt; emitter-appended) ---
"""Pipeline reference for scband-hunyuan-image3-model-86775519248874 (READ-ONLY COPY).

The authoritative reference and input builder live on the scoring server;
editing this copy changes nothing except your own understanding.
"""

import jax, jax.numpy as jnp
import numpy as np

T, D, E, TOPK, INTER = 2048, 768, 64, 8, 6144


def _silu(x):
    return x * jax.nn.sigmoid(x)


def setup_inputs(seed: int = 0):
    key = jax.random.key(seed)
    k = jax.random.split(key, 6)
    x = jax.random.normal(k[0], (T, D), dtype=jnp.float32)
    wg = jax.random.normal(k[1], (E, D), dtype=jnp.float32) * 0.02
    W_gu_shared = jax.random.normal(k[2], (D, INTER), dtype=jnp.float32) * 0.02
    W_down_shared = jax.random.normal(k[3], (INTER // 2, D), dtype=jnp.float32) * 0.02
    W_gu_exp = jax.random.normal(k[4], (E, D, INTER), dtype=jnp.float32) * 0.02
    W_down_exp = jax.random.normal(k[5], (E, INTER // 2, D), dtype=jnp.float32) * 0.02
    return {"x": x, "wg": wg, "W_gu_shared": W_gu_shared, "W_down_shared": W_down_shared, "W_gu_exp": W_gu_exp, "W_down_exp": W_down_exp}


def _capacity(logits, topk):
    return logits.shape[0]


def _topkgating(logits, topk, capacity):
    gates = jax.nn.softmax(logits.astype(jnp.float32), axis=1)
    num_experts = gates.shape[1]
    _, expert_index = jax.lax.top_k(gates, topk)
    expert_mask = jax.nn.one_hot(expert_index, num_experts, dtype=jnp.float32)
    gates_s = jnp.maximum(jnp.matmul(expert_mask, gates[:, :, None]).sum(axis=1), jnp.finfo(gates.dtype).eps)
    router_probs = gates / gates_s
    ei = jnp.transpose(expert_index, (1, 0)).reshape(-1)
    em = jax.nn.one_hot(ei, num_experts, dtype=jnp.int32)
    token_priority = jnp.cumsum(em, axis=0) * em - 1
    token_priority = token_priority.reshape(topk, -1, num_experts)
    token_priority = jnp.transpose(token_priority, (1, 0, 2))
    token_priority = jnp.max(token_priority, axis=1)
    valid = jnp.logical_and(token_priority >= 0, token_priority < capacity)
    token_priority = jnp.where(valid, token_priority, 0)
    dispatch_mask = jax.nn.one_hot(token_priority, capacity, dtype=jnp.float32)
    dispatch_mask = dispatch_mask * valid[:, :, None].astype(jnp.float32)
    combine_weights = jnp.einsum('te,tec->tec', router_probs, dispatch_mask)
    return combine_weights, dispatch_mask


def _mlp(x, W_gu, W_down):
    h = x @ W_gu
    x1, x2 = jnp.split(h, 2, axis=-1)
    return (x1 * _silu(x2)) @ W_down


def reference(x, wg, W_gu_shared, W_down_shared, W_gu_exp, W_down_exp):
    logits = x.astype(jnp.float32) @ wg.T
    capacity = _capacity(logits, TOPK)
    combine_weights, dispatch_mask = _topkgating(logits, TOPK, capacity)
    dispatched = jnp.einsum('tec,tm->ecm', dispatch_mask, x)
    h = jnp.einsum('ecm,emf->ecf', dispatched, W_gu_exp)
    x1, x2 = jnp.split(h, 2, axis=-1)
    expert_out = jnp.einsum('ecf,efm->ecm', x1 * _silu(x2), W_down_exp)
    moe_out = jnp.einsum('tec,ecm->tm', combine_weights, expert_out)
    shared = _mlp(x, W_gu_shared, W_down_shared)
    return moe_out + shared

if __name__ == "__main__":
    import jax
    _d = setup_inputs()
    print(jax.jit(kernel)(*tuple(_d.values())))

</pallas_src>

<mosaic_0001>
module attributes {stable_mosaic.version = 14 : i64} {
  func.func @_gating_kernel(%arg0: memref<2048x768xf32, #tpu.memory_space<vmem>>, %arg1: memref<64x768xf32, #tpu.memory_space<vmem>>, %arg2: memref<2048x8xi32, #tpu.memory_space<vmem>>, %arg3: memref<2048x8xf32, #tpu.memory_space<vmem>>) attributes {dimension_semantics = [], scalar_prefetch = 0 : i64, scratch_operands = 0 : i64, tpu.core_type = #tpu.core_type<tc>} {
    %get3A = arith.constant 0 : index
    %get3A_0 = arith.constant 0 : index
    %get3A_1 = vector.load %arg0[%get3A, %get3A_0] : memref<2048x768xf32, #tpu.memory_space<vmem>>, vector<2048x768xf32>
    %get3A_2 = arith.constant 0 : index
    %get3A_3 = arith.constant 0 : index
    %get3A_4 = vector.load %arg1[%get3A_2, %get3A_3] : memref<64x768xf32, #tpu.memory_space<vmem>>, vector<64x768xf32>
    %dot_general3A = arith.constant dense<0.000000e+00> : vector<2048x64xf32>
    %dot_general3A_5 = tpu.matmul %get3A_1, %get3A_4, %dot_general3A {dimension_numbers = #tpu.dot_dimension_numbers<[1], [1], [0], [0], [0, 0, 1, 0], [], []>, transpose_lhs_hint = false} : vector<2048x768xf32>, vector<64x768xf32>, vector<2048x64xf32> -> vector<2048x64xf32>
    %reduce_max3A = arith.constant dense<0xFF800000> : vector<2048xf32>
    %reduce_max3A_6 = vector.multi_reduction <maximumf>, %dot_general3A_5, %reduce_max3A [1] : vector<2048x64xf32> to vector<2048xf32>
    %broadcast_in_dim3A = vector.shape_cast %reduce_max3A_6 : vector<2048xf32> to vector<2048x1xf32>
    %sub3A = vector.broadcast %broadcast_in_dim3A : vector<2048x1xf32> to vector<2048x64xf32>
    %sub3A_7 = arith.subf %dot_general3A_5, %sub3A : vector<2048x64xf32>
    %exp3A = math.exp %sub3A_7 : vector<2048x64xf32>
    %reduce_sum3A = arith.constant dense<0.000000e+00> : vector<2048xf32>
    %reduce_sum3A_8 = vector.multi_reduction <add>, %exp3A, %reduce_sum3A [1] : vector<2048x64xf32> to vector<2048xf32>
    %broadcast_in_dim3A_9 = vector.shape_cast %reduce_sum3A_8 : vector<2048xf32> to vector<2048x1xf32>
    %div3A = vector.broadcast %broadcast_in_dim3A_9 : vector<2048x1xf32> to vector<2048x64xf32>
    %div3A_10 = arith.divf %exp3A, %div3A : vector<2048x64xf32>
    %iota3A = tpu.iota {dimensions = array<i32: 1>} : vector<2048x64xi32>
    %iota3A_11 = tpu.iota {dimensions = array<i32: 1>} : vector<2048x8xi32>
    %broadcast_in_dim3A_12 = arith.constant 0 : i32
    %broadcast_in_dim3A_13 = vector.broadcast %broadcast_in_dim3A_12 : i32 to vector<2048x8xi32>
    %broadcast_in_dim3A_14 = arith.constant 0.000000e+00 : f32
    %broadcast_in_dim3A_15 = vector.broadcast %broadcast_in_dim3A_14 : f32 to vector<2048x8xf32>
    %broadcast_in_dim3A_16 = arith.constant 0.000000e+00 : f32
    %broadcast_in_dim3A_17 = vector.broadcast %broadcast_in_dim3A_16 : f32 to vector<2048x1xf32>
    %reduce_max3A_18 = arith.constant dense<0xFF800000> : vector<2048xf32>
    %reduce_max3A_19 = vector.multi_reduction <maximumf>, %div3A_10, %reduce_max3A_18 [1] : vector<2048x64xf32> to vector<2048xf32>
    %broadcast_in_dim3A_20 = vector.shape_cast %reduce_max3A_19 : vector<2048xf32> to vector<2048x1xf32>
    %eq3A = vector.broadcast %broadcast_in_dim3A_20 : vector<2048x1xf32> to vector<2048x64xf32>
    %eq3A_21 = arith.cmpf oeq, %div3A_10, %eq3A : vector<2048x64xf32>
    %jit3A = arith.constant 64 : i32
    %broadcast_in_dim3A_22 = vector.broadcast %jit3A : i32 to vector<2048x64xi32>
    %select_n3A = arith.select %eq3A_21, %iota3A, %broadcast_in_dim3A_22 : vector<2048x64xi1>, vector<2048x64xi32>
    %reduce_min3A = arith.constant dense<2147483647> : vector<2048xi32>
    %reduce_min3A_23 = vector.multi_reduction <minsi>, %select_n3A, %reduce_min3A [1] : vector<2048x64xi32> to vector<2048xi32>
    %broadcast_in_dim3A_24 = vector.shape_cast %reduce_min3A_23 : vector<2048xi32> to vector<2048x1xi32>
    %eq3A_25 = vector.broadcast %broadcast_in_dim3A_24 : vector<2048x1xi32> to vector<2048x64xi32>
    %eq3A_26 = arith.cmpi eq, %iota3A, %eq3A_25 : vector<2048x64xi32>
    %eq3A_27 = arith.constant 0 : i32
    %eq3A_28 = vector.broadcast %eq3A_27 : i32 to vector<2048x8xi32>
    %eq3A_29 = arith.cmpi eq, %iota3A_11, %eq3A_28 : vector<2048x8xi32>
    %broadcast_in_dim3A_30 = vector.shape_cast %broadcast_in_dim3A_24 : vector<2048x1xi32> to vector<2048x1xi32>
    %broadcast_in_dim3A_31 = vector.broadcast %broadcast_in_dim3A_30 : vector<2048x1xi32> to vector<2048x8xi32>
    %select_n3A_32 = arith.select %eq3A_29, %broadcast_in_dim3A_31, %broadcast_in_dim3A_13 : vector<2048x8xi1>, vector<2048x8xi32>
    %eq3A_33 = arith.constant 0 : i32
    %eq3A_34 = vector.broadcast %eq3A_33 : i32 to vector<2048x8xi32>
    %eq3A_35 = arith.cmpi eq, %iota3A_11, %eq3A_34 : vector<2048x8xi32>
    %broadcast_in_dim3A_36 = vector.shape_cast %broadcast_in_dim3A_20 : vector<2048x1xf32> to vector<2048x1xf32>
    %broadcast_in_dim3A_37 = vector.broadcast %broadcast_in_dim3A_36 : vector<2048x1xf32> to vector<2048x8xf32>
    %select_n3A_38 = arith.select %eq3A_35, %broadcast_in_dim3A_37, %broadcast_in_dim3A_15 : vector<2048x8xi1>, vector<2048x8xf32>
    %add3A = arith.addf %broadcast_in_dim3A_17, %broadcast_in_dim3A_20 : vector<2048x1xf32>
    %jit3A_39 = arith.constant 0xFF800000 : f32
    %broadcast_in_dim3A_40 = vector.broadcast %jit3A_39 : f32 to vector<2048x64xf32>
    %select_n3A_41 = arith.select %eq3A_26, %broadcast_in_dim3A_40, %div3A_10 : vector<2048x64xi1>, vector<2048x64xf32>
    %reduce_max3A_42 = arith.constant dense<0xFF800000> : vector<2048xf32>
    %reduce_max3A_43 = vector.multi_reduction <maximumf>, %select_n3A_41, %reduce_max3A_42 [1] : vector<2048x64xf32> to vector<2048xf32>
    %broadcast_in_dim3A_44 = vector.shape_cast %reduce_max3A_43 : vector<2048xf32> to vector<2048x1xf32>
    %eq3A_45 = vector.broadcast %broadcast_in_dim3A_44 : vector<2048x1xf32> to vector<2048x64xf32>
    %eq3A_46 = arith.cmpf oeq, %select_n3A_41, %eq3A_45 : vector<2048x64xf32>
    %jit3A_47 = arith.constant 64 : i32
    %broadcast_in_dim3A_48 = vector.broadcast %jit3A_47 : i32 to vector<2048x64xi32>
    %select_n3A_49 = arith.select %eq3A_46, %iota3A, %broadcast_in_dim3A_48 : vector<2048x64xi1>, vector<2048x64xi32>
    %reduce_min3A_50 = arith.constant dense<2147483647> : vector<2048xi32>
    %reduce_min3A_51 = vector.multi_reduction <minsi>, %select_n3A_49, %reduce_min3A_50 [1] : vector<2048x64xi32> to vector<2048xi32>
    %broadcast_in_dim3A_52 = vector.shape_cast %reduce_min3A_51 : vector<2048xi32> to vector<2048x1xi32>
    %eq3A_53 = vector.broadcast %broadcast_in_dim3A_52 : vector<2048x1xi32> to vector<2048x64xi32>
    %eq3A_54 = arith.cmpi eq, %iota3A, %eq3A_53 : vector<2048x64xi32>
    %eq3A_55 = arith.constant 1 : i32
    %eq3A_56 = vector.broadcast %eq3A_55 : i32 to vector<2048x8xi32>
    %eq3A_57 = arith.cmpi eq, %iota3A_11, %eq3A_56 : vector<2048x8xi32>
    %broadcast_in_dim3A_58 = vector.shape_cast %broadcast_in_dim3A_52 : vector<2048x1xi32> to vector<2048x1xi32>
    %broadcast_in_dim3A_59 = vector.broadcast %broadcast_in_dim3A_58 : vector<2048x1xi32> to vector<2048x8xi32>
    %select_n3A_60 = arith.select %eq3A_57, %broadcast_in_dim3A_59, %select_n3A_32 : vector<2048x8xi1>, vector<2048x8xi32>
    %eq3A_61 = arith.constant 1 : i32
    %eq3A_62 = vector.broadcast %eq3A_61 : i32 to vector<2048x8xi32>
    %eq3A_63 = arith.cmpi eq, %iota3A_11, %eq3A_62 : vector<2048x8xi32>
    %broadcast_in_dim3A_64 = vector.shape_cast %broadcast_in_dim3A_44 : vector<2048x1xf32> to vector<2048x1xf32>
    %broadcast_in_dim3A_65 = vector.broadcast %broadcast_in_dim3A_64 : vector<2048x1xf32> to vector<2048x8xf32>
    %select_n3A_66 = arith.select %eq3A_63, %broadcast_in_dim3A_65, %select_n3A_38 : vector<2048x8xi1>, vector<2048x8xf32>
    %add3A_67 = arith.addf %add3A, %broadcast_in_dim3A_44 : vector<2048x1xf32>
    %jit3A_68 = arith.constant 0xFF800000 : f32
    %broadcast_in_dim3A_69 = vector.broadcast %jit3A_68 : f32 to vector<2048x64xf32>
    %select_n3A_70 = arith.select %eq3A_54, %broadcast_in_dim3A_69, %select_n3A_41 : vector<2048x64xi1>, vector<2048x64xf32>
    %reduce_max3A_71 = arith.constant dense<0xFF800000> : vector<2048xf32>
    %reduce_max3A_72 = vector.multi_reduction <maximumf>, %select_n3A_70, %reduce_max3A_71 [1] : vector<2048x64xf32> to vector<2048xf32>
    %broadcast_in_dim3A_73 = vector.shape_cast %reduce_max3A_72 : vector<2048xf32> to vector<2048x1xf32>
    %eq3A_74 = vector.broadcast %broadcast_in_dim3A_73 : vector<2048x1xf32> to vector<2048x64xf32>
    %eq3A_75 = arith.cmpf oeq, %select_n3A_70, %eq3A_74 : vector<2048x64xf32>
    %jit3A_76 = arith.constant 64 : i32
    %broadcast_in_dim3A_77 = vector.broadcast %jit3A_76 : i32 to vector<2048x64xi32>
    %select_n3A_78 = arith.select %eq3A_75, %iota3A, %broadcast_in_dim3A_77 : vector<2048x64xi1>, vector<2048x64xi32>
    %reduce_min3A_79 = arith.constant dense<2147483647> : vector<2048xi32>
    %reduce_min3A_80 = vector.multi_reduction <minsi>, %select_n3A_78, %reduce_min3A_79 [1] : vector<2048x64xi32> to vector<2048xi32>
    %broadcast_in_dim3A_81 = vector.shape_cast %reduce_min3A_80 : vector<2048xi32> to vector<2048x1xi32>
    %eq3A_82 = vector.broadcast %broadcast_in_dim3A_81 : vector<2048x1xi32> to vector<2048x64xi32>
    %eq3A_83 = arith.cmpi eq, %iota3A, %eq3A_82 : vector<2048x64xi32>
    %eq3A_84 = arith.constant 2 : i32
    %eq3A_85 = vector.broadcast %eq3A_84 : i32 to vector<2048x8xi32>
    %eq3A_86 = arith.cmpi eq, %iota3A_11, %eq3A_85 : vector<2048x8xi32>
    %broadcast_in_dim3A_87 = vector.shape_cast %broadcast_in_dim3A_81 : vector<2048x1xi32> to vector<2048x1xi32>
    %broadcast_in_dim3A_88 = vector.broadcast %broadcast_in_dim3A_87 : vector<2048x1xi32> to vector<2048x8xi32>
    %select_n3A_89 = arith.select %eq3A_86, %broadcast_in_dim3A_88, %select_n3A_60 : vector<2048x8xi1>, vector<2048x8xi32>
    %eq3A_90 = arith.constant 2 : i32
    %eq3A_91 = vector.broadcast %eq3A_90 : i32 to vector<2048x8xi32>
    %eq3A_92 = arith.cmpi eq, %iota3A_11, %eq3A_91 : vector<2048x8xi32>
    %broadcast_in_dim3A_93 = vector.shape_cast %broadcast_in_dim3A_73 : vector<2048x1xf32> to vector<2048x1xf32>
    %broadcast_in_dim3A_94 = vector.broadcast %broadcast_in_dim3A_93 : vector<2048x1xf32> to vector<2048x8xf32>
    %select_n3A_95 = arith.select %eq3A_92, %broadcast_in_dim3A_94, %select_n3A_66 : vector<2048x8xi1>, vector<2048x8xf32>
    %add3A_96 = arith.addf %add3A_67, %broadcast_in_dim3A_73 : vector<2048x1xf32>
    %jit3A_97 = arith.constant 0xFF800000 : f32
    %broadcast_in_dim3A_98 = vector.broadcast %jit3A_97 : f32 to vector<2048x64xf32>
    %select_n3A_99 = arith.select %eq3A_83, %broadcast_in_dim3A_98, %select_n3A_70 : vector<2048x64xi1>, vector<2048x64xf32>
    %reduce_max3A_100 = arith.constant dense<0xFF800000> : vector<2048xf32>
    %reduce_max3A_101 = vector.multi_reduction <maximumf>, %select_n3A_99, %reduce_max3A_100 [1] : vector<2048x64xf32> to vector<2048xf32>
    %broadcast_in_dim3A_102 = vector.shape_cast %reduce_max3A_101 : vector<2048xf32> to vector<2048x1xf32>
    %eq3A_103 = vector.broadcast %broadcast_in_dim3A_102 : vector<2048x1xf32> to vector<2048x64xf32>
    %eq3A_104 = arith.cmpf oeq, %select_n3A_99, %eq3A_103 : vector<2048x64xf32>
    %jit3A_105 = arith.constant 64 : i32
    %broadcast_in_dim3A_106 = vector.broadcast %jit3A_105 : i32 to vector<2048x64xi32>
    %select_n3A_107 = arith.select %eq3A_104, %iota3A, %broadcast_in_dim3A_106 : vector<2048x64xi1>, vector<2048x64xi32>
    %reduce_min3A_108 = arith.constant dense<2147483647> : vector<2048xi32>
    %reduce_min3A_109 = vector.multi_reduction <minsi>, %select_n3A_107, %reduce_min3A_108 [1] : vector<2048x64xi32> to vector<2048xi32>
    %broadcast_in_dim3A_110 = vector.shape_cast %reduce_min3A_109 : vector<2048xi32> to vector<2048x1xi32>
    %eq3A_111 = vector.broadcast %broadcast_in_dim3A_110 : vector<2048x1xi32> to vector<2048x64xi32>
    %eq3A_112 = arith.cmpi eq, %iota3A, %eq3A_111 : vector<2048x64xi32>
    %eq3A_113 = arith.constant 3 : i32
    %eq3A_114 = vector.broadcast %eq3A_113 : i32 to vector<2048x8xi32>
    %eq3A_115 = arith.cmpi eq, %iota3A_11, %eq3A_114 : vector<2048x8xi32>
    %broadcast_in_dim3A_116 = vector.shape_cast %broadcast_in_dim3A_110 : vector<2048x1xi32> to vector<2048x1xi32>
    %broadcast_in_dim3A_117 = vector.broadcast %broadcast_in_dim3A_116 : vector<2048x1xi32> to vector<2048x8xi32>
    %select_n3A_118 = arith.select %eq3A_115, %broadcast_in_dim3A_117, %select_n3A_89 : vector<2048x8xi1>, vector<2048x8xi32>
    %eq3A_119 = arith.constant 3 : i32
    %eq3A_120 = vector.broadcast %eq3A_119 : i32 to vector<2048x8xi32>
    %eq3A_121 = arith.cmpi eq, %iota3A_11, %eq3A_120 : vector<2048x8xi32>
    %broadcast_in_dim3A_122 = vector.shape_cast %broadcast_in_dim3A_102 : vector<2048x1xf32> to vector<2048x1xf32>
    %broadcast_in_dim3A_123 = vector.broadcast %broadcast_in_dim3A_122 : vector<2048x1xf32> to vector<2048x8xf32>
    %select_n3A_124 = arith.select %eq3A_121, %broadcast_in_dim3A_123, %select_n3A_95 : vector<2048x8xi1>, vector<2048x8xf32>
    %add3A_125 = arith.addf %add3A_96, %broadcast_in_dim3A_102 : vector<2048x1xf32>
    %jit3A_126 = arith.constant 0xFF800000 : f32
    %broadcast_in_dim3A_127 = vector.broadcast %jit3A_126 : f32 to vector<2048x64xf32>
    %select_n3A_128 = arith.select %eq3A_112, %broadcast_in_dim3A_127, %select_n3A_99 : vector<2048x64xi1>, vector<2048x64xf32>
    %reduce_max3A_129 = arith.constant dense<0xFF800000> : vector<2048xf32>
    %reduce_max3A_130 = vector.multi_reduction <maximumf>, %select_n3A_128, %reduce_max3A_129 [1] : vector<2048x64xf32> to vector<2048xf32>
    %broadcast_in_dim3A_131 = vector.shape_cast %reduce_max3A_130 : vector<2048xf32> to vector<2048x1xf32>
    %eq3A_132 = vector.broadcast %broadcast_in_dim3A_131 : vector<2048x1xf32> to vector<2048x64xf32>
    %eq3A_133 = arith.cmpf oeq, %select_n3A_128, %eq3A_132 : vector<2048x64xf32>
    %jit3A_134 = arith.constant 64 : i32
    %broadcast_in_dim3A_135 = vector.broadcast %jit3A_134 : i32 to vector<2048x64xi32>
    %select_n3A_136 = arith.select %eq3A_133, %iota3A, %broadcast_in_dim3A_135 : vector<2048x64xi1>, vector<2048x64xi32>
    %reduce_min3A_137 = arith.constant dense<2147483647> : vector<2048xi32>
    %reduce_min3A_138 = vector.multi_reduction <minsi>, %select_n3A_136, %reduce_min3A_137 [1] : vector<2048x64xi32> to vector<2048xi32>
    %broadcast_in_dim3A_139 = vector.shape_cast %reduce_min3A_138 : vector<2048xi32> to vector<2048x1xi32>
    %eq3A_140 = vector.broadcast %broadcast_in_dim3A_139 : vector<2048x1xi32> to vector<2048x64xi32>
    %eq3A_141 = arith.cmpi eq, %iota3A, %eq3A_140 : vector<2048x64xi32>
    %eq3A_142 = arith.constant 4 : i32
    %eq3A_143 = vector.broadcast %eq3A_142 : i32 to vector<2048x8xi32>
    %eq3A_144 = arith.cmpi eq, %iota3A_11, %eq3A_143 : vector<2048x8xi32>
    %broadcast_in_dim3A_145 = vector.shape_cast %broadcast_in_dim3A_139 : vector<2048x1xi32> to vector<2048x1xi32>
    %broadcast_in_dim3A_146 = vector.broadcast %broadcast_in_dim3A_145 : vector<2048x1xi32> to vector<2048x8xi32>
    %select_n3A_147 = arith.select %eq3A_144, %broadcast_in_dim3A_146, %select_n3A_118 : vector<2048x8xi1>, vector<2048x8xi32>
    %eq3A_148 = arith.constant 4 : i32
    %eq3A_149 = vector.broadcast %eq3A_148 : i32 to vector<2048x8xi32>
    %eq3A_150 = arith.cmpi eq, %iota3A_11, %eq3A_149 : vector<2048x8xi32>
    %broadcast_in_dim3A_151 = vector.shape_cast %broadcast_in_dim3A_131 : vector<2048x1xf32> to vector<2048x1xf32>
    %broadcast_in_dim3A_152 = vector.broadcast %broadcast_in_dim3A_151 : vector<2048x1xf32> to vector<2048x8xf32>
    %select_n3A_153 = arith.select %eq3A_150, %broadcast_in_dim3A_152, %select_n3A_124 : vector<2048x8xi1>, vector<2048x8xf32>
    %add3A_154 = arith.addf %add3A_125, %broadcast_in_dim3A_131 : vector<2048x1xf32>
    %jit3A_155 = arith.constant 0xFF800000 : f32
    %broadcast_in_dim3A_156 = vector.broadcast %jit3A_155 : f32 to vector<2048x64xf32>
    %select_n3A_157 = arith.select %eq3A_141, %broadcast_in_dim3A_156, %select_n3A_128 : vector<2048x64xi1>, vector<2048x64xf32>
    %reduce_max3A_158 = arith.constant dense<0xFF800000> : vector<2048xf32>
    %reduce_max3A_159 = vector.multi_reduction <maximumf>, %select_n3A_157, %reduce_max3A_158 [1] : vector<2048x64xf32> to vector<2048xf32>
    %broadcast_in_dim3A_160 = vector.shape_cast %reduce_max3A_159 : vector<2048xf32> to vector<2048x1xf32>
    %eq3A_161 = vector.broadcast %broadcast_in_dim3A_160 : vector<2048x1xf32> to vector<2048x64xf32>
    %eq3A_162 = arith.cmpf oeq, %select_n3A_157, %eq3A_161 : vector<2048x64xf32>
    %jit3A_163 = arith.constant 64 : i32
    %broadcast_in_dim3A_164 = vector.broadcast %jit3A_163 : i32 to vector<2048x64xi32>
    %select_n3A_165 = arith.select %eq3A_162, %iota3A, %broadcast_in_dim3A_164 : vector<2048x64xi1>, vector<2048x64xi32>
    %reduce_min3A_166 = arith.constant dense<2147483647> : vector<2048xi32>
    %reduce_min3A_167 = vector.multi_reduction <minsi>, %select_n3A_165, %reduce_min3A_166 [1] : vector<2048x64xi32> to vector<2048xi32>
    %broadcast_in_dim3A_168 = vector.shape_cast %reduce_min3A_167 : vector<2048xi32> to vector<2048x1xi32>
    %eq3A_169 = vector.broadcast %broadcast_in_dim3A_168 : vector<2048x1xi32> to vector<2048x64xi32>
    %eq3A_170 = arith.cmpi eq, %iota3A, %eq3A_169 : vector<2048x64xi32>
    %eq3A_171 = arith.constant 5 : i32
    %eq3A_172 = vector.broadcast %eq3A_171 : i32 to vector<2048x8xi32>
    %eq3A_173 = arith.cmpi eq, %iota3A_11, %eq3A_172 : vector<2048x8xi32>
    %broadcast_in_dim3A_174 = vector.shape_cast %broadcast_in_dim3A_168 : vector<2048x1xi32> to vector<2048x1xi32>
    %broadcast_in_dim3A_175 = vector.broadcast %broadcast_in_dim3A_174 : vector<2048x1xi32> to vector<2048x8xi32>
    %select_n3A_176 = arith.select %eq3A_173, %broadcast_in_dim3A_175, %select_n3A_147 : vector<2048x8xi1>, vector<2048x8xi32>
    %eq3A_177 = arith.constant 5 : i32
    %eq3A_178 = vector.broadcast %eq3A_177 : i32 to vector<2048x8xi32>
    %eq3A_179 = arith.cmpi eq, %iota3A_11, %eq3A_178 : vector<2048x8xi32>
    %broadcast_in_dim3A_180 = vector.shape_cast %broadcast_in_dim3A_160 : vector<2048x1xf32> to vector<2048x1xf32>
    %broadcast_in_dim3A_181 = vector.broadcast %broadcast_in_dim3A_180 : vector<2048x1xf32> to vector<2048x8xf32>
    %select_n3A_182 = arith.select %eq3A_179, %broadcast_in_dim3A_181, %select_n3A_153 : vector<2048x8xi1>, vector<2048x8xf32>
    %add3A_183 = arith.addf %add3A_154, %broadcast_in_dim3A_160 : vector<2048x1xf32>
    %jit3A_184 = arith.constant 0xFF800000 : f32
    %broadcast_in_dim3A_185 = vector.broadcast %jit3A_184 : f32 to vector<2048x64xf32>
    %select_n3A_186 = arith.select %eq3A_170, %broadcast_in_dim3A_185, %select_n3A_157 : vector<2048x64xi1>, vector<2048x64xf32>
    %reduce_max3A_187 = arith.constant dense<0xFF800000> : vector<2048xf32>
    %reduce_max3A_188 = vector.multi_reduction <maximumf>, %select_n3A_186, %reduce_max3A_187 [1] : vector<2048x64xf32> to vector<2048xf32>
    %broadcast_in_dim3A_189 = vector.shape_cast %reduce_max3A_188 : vector<2048xf32> to vector<2048x1xf32>
    %eq3A_190 = vector.broadcast %broadcast_in_dim3A_189 : vector<2048x1xf32> to vector<2048x64xf32>
    %eq3A_191 = arith.cmpf oeq, %select_n3A_186, %eq3A_190 : vector<2048x64xf32>
    %jit3A_192 = arith.constant 64 : i32
    %broadcast_in_dim3A_193 = vector.broadcast %jit3A_192 : i32 to vector<2048x64xi32>
    %select_n3A_194 = arith.select %eq3A_191, %iota3A, %broadcast_in_dim3A_193 : vector<2048x64xi1>, vector<2048x64xi32>
    %reduce_min3A_195 = arith.constant dense<2147483647> : vector<2048xi32>
    %reduce_min3A_196 = vector.multi_reduction <minsi>, %select_n3A_194, %reduce_min3A_195 [1] : vector<2048x64xi32> to vector<2048xi32>
    %broadcast_in_dim3A_197 = vector.shape_cast %reduce_min3A_196 : vector<2048xi32> to vector<2048x1xi32>
    %eq3A_198 = vector.broadcast %broadcast_in_dim3A_197 : vector<2048x1xi32> to vector<2048x64xi32>
    %eq3A_199 = arith.cmpi eq, %iota3A, %eq3A_198 : vector<2048x64xi32>
    %eq3A_200 = arith.constant 6 : i32
    %eq3A_201 = vector.broadcast %eq3A_200 : i32 to vector<2048x8xi32>
    %eq3A_202 = arith.cmpi eq, %iota3A_11, %eq3A_201 : vector<2048x8xi32>
    %broadcast_in_dim3A_203 = vector.shape_cast %broadcast_in_dim3A_197 : vector<2048x1xi32> to vector<2048x1xi32>
    %broadcast_in_dim3A_204 = vector.broadcast %broadcast_in_dim3A_203 : vector<2048x1xi32> to vector<2048x8xi32>
    %select_n3A_205 = arith.select %eq3A_202, %broadcast_in_dim3A_204, %select_n3A_176 : vector<2048x8xi1>, vector<2048x8xi32>
    %eq3A_206 = arith.constant 6 : i32
    %eq3A_207 = vector.broadcast %eq3A_206 : i32 to vector<2048x8xi32>
    %eq3A_208 = arith.cmpi eq, %iota3A_11, %eq3A_207 : vector<2048x8xi32>
    %broadcast_in_dim3A_209 = vector.shape_cast %broadcast_in_dim3A_189 : vector<2048x1xf32> to vector<2048x1xf32>
    %broadcast_in_dim3A_210 = vector.broadcast %broadcast_in_dim3A_209 : vector<2048x1xf32> to vector<2048x8xf32>
    %select_n3A_211 = arith.select %eq3A_208, %broadcast_in_dim3A_210, %select_n3A_182 : vector<2048x8xi1>, vector<2048x8xf32>
    %add3A_212 = arith.addf %add3A_183, %broadcast_in_dim3A_189 : vector<2048x1xf32>
    %jit3A_213 = arith.constant 0xFF800000 : f32
    %broadcast_in_dim3A_214 = vector.broadcast %jit3A_213 : f32 to vector<2048x64xf32>
    %select_n3A_215 = arith.select %eq3A_199, %broadcast_in_dim3A_214, %select_n3A_186 : vector<2048x64xi1>, vector<2048x64xf32>
    %reduce_max3A_216 = arith.constant dense<0xFF800000> : vector<2048xf32>
    %reduce_max3A_217 = vector.multi_reduction <maximumf>, %select_n3A_215, %reduce_max3A_216 [1] : vector<2048x64xf32> to vector<2048xf32>
    %broadcast_in_dim3A_218 = vector.shape_cast %reduce_max3A_217 : vector<2048xf32> to vector<2048x1xf32>
    %eq3A_219 = vector.broadcast %broadcast_in_dim3A_218 : vector<2048x1xf32> to vector<2048x64xf32>
    %eq3A_220 = arith.cmpf oeq, %select_n3A_215, %eq3A_219 : vector<2048x64xf32>
    %jit3A_221 = arith.constant 64 : i32
    %broadcast_in_dim3A_222 = vector.broadcast %jit3A_221 : i32 to vector<2048x64xi32>
    %select_n3A_223 = arith.select %eq3A_220, %iota3A, %broadcast_in_dim3A_222 : vector<2048x64xi1>, vector<2048x64xi32>
    %reduce_min3A_224 = arith.constant dense<2147483647> : vector<2048xi32>
    %reduce_min3A_225 = vector.multi_reduction <minsi>, %select_n3A_223, %reduce_min3A_224 [1] : vector<2048x64xi32> to vector<2048xi32>
    %broadcast_in_dim3A_226 = vector.shape_cast %reduce_min3A_225 : vector<2048xi32> to vector<2048x1xi32>
    %eq3A_227 = arith.constant 7 : i32
    %eq3A_228 = vector.broadcast %eq3A_227 : i32 to vector<2048x8xi32>
    %eq3A_229 = arith.cmpi eq, %iota3A_11, %eq3A_228 : vector<2048x8xi32>
    %broadcast_in_dim3A_230 = vector.shape_cast %broadcast_in_dim3A_226 : vector<2048x1xi32> to vector<2048x1xi32>
    %broadcast_in_dim3A_231 = vector.broadcast %broadcast_in_dim3A_230 : vector<2048x1xi32> to vector<2048x8xi32>
    %select_n3A_232 = arith.select %eq3A_229, %broadcast_in_dim3A_231, %select_n3A_205 : vector<2048x8xi1>, vector<2048x8xi32>
    %eq3A_233 = arith.constant 7 : i32
    %eq3A_234 = vector.broadcast %eq3A_233 : i32 to vector<2048x8xi32>
    %eq3A_235 = arith.cmpi eq, %iota3A_11, %eq3A_234 : vector<2048x8xi32>
    %broadcast_in_dim3A_236 = vector.shape_cast %broadcast_in_dim3A_218 : vector<2048x1xf32> to vector<2048x1xf32>
    %broadcast_in_dim3A_237 = vector.broadcast %broadcast_in_dim3A_236 : vector<2048x1xf32> to vector<2048x8xf32>
    %select_n3A_238 = arith.select %eq3A_235, %broadcast_in_dim3A_237, %select_n3A_211 : vector<2048x8xi1>, vector<2048x8xf32>
    %add3A_239 = arith.addf %add3A_212, %broadcast_in_dim3A_218 : vector<2048x1xf32>
    %max3A = arith.constant 1.1920929E-7 : f32
    %max3A_240 = vector.broadcast %max3A : f32 to vector<2048x1xf32>
    %max3A_241 = arith.maximumf %add3A_239, %max3A_240 : vector<2048x1xf32>
    %swap3A = arith.constant 0 : index
    %swap3A_242 = arith.constant 0 : index
    %swap3A_243 = vector.load %arg2[%swap3A, %swap3A_242] : memref<2048x8xi32, #tpu.memory_space<vmem>>, vector<2048x8xi32>
    tpu.vector_store %arg2[%swap3A, %swap3A_242], %select_n3A_232 {strides = array<i32>} : memref<2048x8xi32, #tpu.memory_space<vmem>>, vector<2048x8xi32>,
    %div3A_244 = vector.broadcast %max3A_241 : vector<2048x1xf32> to vector<2048x8xf32>
    %div3A_245 = arith.divf %select_n3A_238, %div3A_244 : vector<2048x8xf32>
    %swap3A_246 = arith.constant 0 : index
    %swap3A_247 = arith.constant 0 : index
    %swap3A_248 = vector.load %arg3[%swap3A_246, %swap3A_247] : memref<2048x8xf32, #tpu.memory_space<vmem>>, vector<2048x8xf32>
    tpu.vector_store %arg3[%swap3A_246, %swap3A_247], %div3A_245 {strides = array<i32>} : memref<2048x8xf32, #tpu.memory_space<vmem>>, vector<2048x8xf32>,
    return
  }
}

module attributes {stable_mosaic.version = 14 : i64} {
  func.func @_shared_kernel(%arg0: i32, %arg1: memref<2048x768xf32, #tpu.memory_space<vmem>>, %arg2: memref<768x512xf32, #tpu.memory_space<vmem>>, %arg3: memref<768x512xf32, #tpu.memory_space<vmem>>, %arg4: memref<512x768xf32, #tpu.memory_space<vmem>>, %arg5: memref<2048x768xf32, #tpu.memory_space<vmem>>) attributes {dimension_semantics = [#tpu.dimension_semantics<arbitrary>], iteration_bounds = array<i64: 6>, scalar_prefetch = 0 : i64, scratch_operands = 0 : i64, tpu.core_type = #tpu.core_type<tc>, window_params = [{pipeline_mode = #tpu.pipeline_mode<synchronous>, transform_indices = @transform_0, window_bounds = array<i64: 2048, 768>}, {transform_indices = @transform_1, window_bounds = array<i64: 768, 512>}, {transform_indices = @transform_2, window_bounds = array<i64: 768, 512>}, {transform_indices = @transform_3, window_bounds = array<i64: 512, 768>}, {pipeline_mode = #tpu.pipeline_mode<synchronous>, transform_indices = @transform_4, window_bounds = array<i64: 2048, 768>}]} {
    %eq3A = arith.constant 0 : i32
    %eq3A_0 = arith.cmpi eq, %arg0, %eq3A : i32
    %convert_element_type3A = arith.extui %eq3A_0 : i1 to i32
    %cond3A = arith.constant 0 : i32
    %cond3A_1 = arith.cmpi ne, %convert_element_type3A, %cond3A : i32
    scf.if %cond3A_1 {
      %broadcast_in_dim3A = arith.constant 0.000000e+00 : f32
      %broadcast_in_dim3A_34 = vector.broadcast %broadcast_in_dim3A : f32 to vector<2048x768xf32>
      %swap3A_35 = arith.constant 0 : index
      %swap3A_36 = arith.constant 0 : index
      %swap3A_37 = vector.load %arg5[%swap3A_35, %swap3A_36] : memref<2048x768xf32, #tpu.memory_space<vmem>>, vector<2048x768xf32>
      tpu.vector_store %arg5[%swap3A_35, %swap3A_36], %broadcast_in_dim3A_34 {strides = array<i32>} : memref<2048x768xf32, #tpu.memory_space<vmem>>, vector<2048x768xf32>,
    } else {
    }
    %get3A = arith.constant 0 : index
    %get3A_2 = arith.constant 0 : index
    %get3A_3 = vector.load %arg1[%get3A, %get3A_2] : memref<2048x768xf32, #tpu.memory_space<vmem>>, vector<2048x768xf32>
    %convert_element_type3A_4 = arith.truncf %get3A_3 : vector<2048x768xf32> to vector<2048x768xbf16>
    %get3A_5 = arith.constant 0 : index
    %get3A_6 = arith.constant 0 : index
    %get3A_7 = vector.load %arg2[%get3A_5, %get3A_6] : memref<768x512xf32, #tpu.memory_space<vmem>>, vector<768x512xf32>
    %convert_element_type3A_8 = arith.truncf %get3A_7 : vector<768x512xf32> to vector<768x512xbf16>
    %dot_general3A = arith.constant dense<0.000000e+00> : vector<2048x512xf32>
    %dot_general3A_9 = tpu.matmul %convert_element_type3A_4, %convert_element_type3A_8, %dot_general3A {dimension_numbers = #tpu.dot_dimension_numbers<[1], [0], [0], [1], [0, 0, 1, 1], [], []>, transpose_lhs_hint = false} : vector<2048x768xbf16>, vector<768x512xbf16>, vector<2048x512xf32> -> vector<2048x512xf32>
    %get3A_10 = arith.constant 0 : index
    %get3A_11 = arith.constant 0 : index
    %get3A_12 = vector.load %arg3[%get3A_10, %get3A_11] : memref<768x512xf32, #tpu.memory_space<vmem>>, vector<768x512xf32>
    %convert_element_type3A_13 = arith.truncf %get3A_12 : vector<768x512xf32> to vector<768x512xbf16>
    %dot_general3A_14 = arith.constant dense<0.000000e+00> : vector<2048x512xf32>
    %dot_general3A_15 = tpu.matmul %convert_element_type3A_4, %convert_element_type3A_13, %dot_general3A_14 {dimension_numbers = #tpu.dot_dimension_numbers<[1], [0], [0], [1], [0, 0, 1, 1], [], []>, transpose_lhs_hint = false} : vector<2048x768xbf16>, vector<768x512xbf16>, vector<2048x512xf32> -> vector<2048x512xf32>
    %logistic3A = arith.negf %dot_general3A_15 : vector<2048x512xf32>
    %logistic3A_16 = math.exp %logistic3A : vector<2048x512xf32>
    %logistic3A_17 = arith.constant 1.000000e+00 : f32
    %logistic3A_18 = vector.broadcast %logistic3A_17 : f32 to vector<2048x512xf32>
    %logistic3A_19 = arith.addf %logistic3A_18, %logistic3A_16 : vector<2048x512xf32>
    %logistic3A_20 = arith.divf %logistic3A_18, %logistic3A_19 : vector<2048x512xf32>
    %mul3A = arith.mulf %dot_general3A_15, %logistic3A_20 : vector<2048x512xf32>
    %mul3A_21 = arith.mulf %dot_general3A_9, %mul3A : vector<2048x512xf32>
    %get3A_22 = arith.constant 0 : index
    %get3A_23 = arith.constant 0 : index
    %get3A_24 = vector.load %arg5[%get3A_22, %get3A_23] : memref<2048x768xf32, #tpu.memory_space<vmem>>, vector<2048x768xf32>
    %convert_element_type3A_25 = arith.truncf %mul3A_21 : vector<2048x512xf32> to vector<2048x512xbf16>
    %get3A_26 = arith.constant 0 : index
    %get3A_27 = arith.constant 0 : index
    %get3A_28 = vector.load %arg4[%get3A_26, %get3A_27] : memref<512x768xf32, #tpu.memory_space<vmem>>, vector<512x768xf32>
    %convert_element_type3A_29 = arith.truncf %get3A_28 : vector<512x768xf32> to vector<512x768xbf16>
    %dot_general3A_30 = arith.constant dense<0.000000e+00> : vector<2048x768xf32>
    %dot_general3A_31 = tpu.matmul %convert_element_type3A_25, %convert_element_type3A_29, %dot_general3A_30 {dimension_numbers = #tpu.dot_dimension_numbers<[1], [0], [0], [1], [0, 0, 1, 1], [], []>, transpose_lhs_hint = false} : vector<2048x512xbf16>, vector<512x768xbf16>, vector<2048x768xf32> -> vector<2048x768xf32>
    %add3A = arith.addf %get3A_24, %dot_general3A_31 : vector<2048x768xf32>
    %swap3A = arith.constant 0 : index
    %swap3A_32 = arith.constant 0 : index
    %swap3A_33 = vector.load %arg5[%swap3A, %swap3A_32] : memref<2048x768xf32, #tpu.memory_space<vmem>>, vector<2048x768xf32>
    tpu.vector_store %arg5[%swap3A, %swap3A_32], %add3A {strides = array<i32>} : memref<2048x768xf32, #tpu.memory_space<vmem>>, vector<2048x768xf32>,
    return
  }
  func.func @transform_0(%arg0: i32) -> (i32, i32) {
    %c0_i32 = arith.constant 0 : i32
    %c0_i32_0 = arith.constant 0 : i32
    %c0_i32_1 = arith.constant 0 : i32
    return %c0_i32, %c0_i32_0 : i32, i32
  }
  func.func @transform_1(%arg0: i32) -> (i32, i32) {
    %c0_i32 = arith.constant 0 : i32
    %c0_i32_0 = arith.constant 0 : i32
    return %c0_i32, %arg0 : i32, i32
  }
  func.func @transform_2(%arg0: i32) -> (i32, i32) {
    %add3A = arith.constant 6 : i32
    %add3A_0 = arith.addi %add3A, %arg0 : i32
    %c0_i32 = arith.constant 0 : i32
    %c0_i32_1 = arith.constant 0 : i32
    return %c0_i32, %add3A_0 : i32, i32
  }
  func.func @transform_3(%arg0: i32) -> (i32, i32) {
    %c0_i32 = arith.constant 0 : i32
    %c0_i32_0 = arith.constant 0 : i32
    return %arg0, %c0_i32 : i32, i32
  }
  func.func @transform_4(%arg0: i32) -> (i32, i32) {
    %c0_i32 = arith.constant 0 : i32
    %c0_i32_0 = arith.constant 0 : i32
    %c0_i32_1 = arith.constant 0 : i32
    return %c0_i32, %c0_i32_0 : i32, i32
  }
}

module attributes {stable_mosaic.version = 14 : i64} {
  func.func @_moe_kernel(%arg0: i32, %arg1: i32, %arg2: memref<192xi32, #tpu.memory_space<smem>>, %arg3: memref<192xi32, #tpu.memory_space<smem>>, %arg4: memref<2048x768xf32, #tpu.memory_space<vmem>>, %arg5: memref<1x128x1xi32, #tpu.memory_space<vmem>>, %arg6: memref<1x1x128xi32, #tpu.memory_space<vmem>>, %arg7: memref<1x1x128xf32, #tpu.memory_space<vmem>>, %arg8: memref<1x768x1536xf32, #tpu.memory_space<vmem>>, %arg9: memref<1x768x1536xf32, #tpu.memory_space<vmem>>, %arg10: memref<1x1536x768xf32, #tpu.memory_space<vmem>>, %arg11: memref<2048x768xf32, #tpu.memory_space<vmem>>) attributes {dimension_semantics = [#tpu.dimension_semantics<arbitrary>, #tpu.dimension_semantics<arbitrary>], iteration_bounds = array<i64: 2, 192>, scalar_prefetch = 2 : i64, scratch_operands = 0 : i64, tpu.core_type = #tpu.core_type<tc>, window_params = [{pipeline_mode = #tpu.pipeline_mode<synchronous>, transform_indices = @transform_0, window_bounds = array<i64: 2048, 768>}, {transform_indices = @transform_1, window_bounds = array<i64: 1, 128, 1>}, {transform_indices = @transform_2, window_bounds = array<i64: 1, 1, 128>}, {transform_indices = @transform_3, window_bounds = array<i64: 1, 1, 128>}, {transform_indices = @transform_4, window_bounds = array<i64: 1, 768, 1536>}, {transform_indices = @transform_5, window_bounds = array<i64: 1, 768, 1536>}, {transform_indices = @transform_6, window_bounds = array<i64: 1, 1536, 768>}, {pipeline_mode = #tpu.pipeline_mode<synchronous>, transform_indices = @transform_7, window_bounds = array<i64: 2048, 768>}]} {
    %eq3A = arith.constant 0 : i32
    %eq3A_0 = arith.cmpi eq, %arg0, %eq3A : i32
    %eq3A_1 = arith.constant 0 : i32
    %eq3A_2 = arith.cmpi eq, %arg1, %eq3A_1 : i32
    %and3A = arith.andi %eq3A_0, %eq3A_2 : i1
    %convert_element_type3A = arith.extui %and3A : i1 to i32
    %cond3A = arith.constant 0 : i32
    %cond3A_3 = arith.cmpi ne, %convert_element_type3A, %cond3A : i32
    scf.if %cond3A_3 {
      %broadcast_in_dim3A = arith.constant 0.000000e+00 : f32
      %broadcast_in_dim3A_10 = vector.broadcast %broadcast_in_dim3A : f32 to vector<2048x768xf32>
      %swap3A = arith.constant 0 : index
      %swap3A_11 = arith.constant 0 : index
      %swap3A_12 = vector.load %arg11[%swap3A, %swap3A_11] : memref<2048x768xf32, #tpu.memory_space<vmem>>, vector<2048x768xf32>
      tpu.vector_store %arg11[%swap3A, %swap3A_11], %broadcast_in_dim3A_10 {strides = array<i32>} : memref<2048x768xf32, #tpu.memory_space<vmem>>, vector<2048x768xf32>,
    } else {
    }
    %get3A = arith.index_cast %arg1 : i32 to index
    %get3A_4 = memref.load %arg3[%get3A] : memref<192xi32, #tpu.memory_space<smem>>
    %eq3A_5 = arith.constant 1 : i32
    %eq3A_6 = arith.cmpi eq, %get3A_4, %eq3A_5 : i32
    %convert_element_type3A_7 = arith.extui %eq3A_6 : i1 to i32
    %cond3A_8 = arith.constant 0 : i32
    %cond3A_9 = arith.cmpi ne, %convert_element_type3A_7, %cond3A_8 : i32
    scf.if %cond3A_9 {
      %get3A_10 = arith.constant 0 : index
      %get3A_11 = arith.constant 0 : index
      %get3A_12 = vector.load %arg4[%get3A_10, %get3A_11] : memref<2048x768xf32, #tpu.memory_space<vmem>>, vector<2048x768xf32>
      %get3A_13 = arith.constant 0 : index
      %get3A_14 = arith.constant 0 : index
      %get3A_15 = arith.constant 0 : index
      %get3A_16 = vector.load %arg5[%get3A_13, %get3A_14, %get3A_15] : memref<1x128x1xi32, #tpu.memory_space<vmem>>, vector<1x128x1xi32>
      %get3A_17 = vector.shape_cast %get3A_16 : vector<1x128x1xi32> to vector<128x1xi32>
      %iota3A = tpu.iota {dimensions = array<i32: 1>} : vector<128x2048xi32>
      %eq3A_18 = vector.broadcast %get3A_17 : vector<128x1xi32> to vector<128x2048xi32>
      %eq3A_19 = arith.cmpi eq, %iota3A, %eq3A_18 : vector<128x2048xi32>
      %convert_element_type3A_20 = arith.extui %eq3A_19 : vector<128x2048xi1> to vector<128x2048xi32>
      %convert_element_type3A_21 = arith.sitofp %convert_element_type3A_20 : vector<128x2048xi32> to vector<128x2048xf32>
      %dot_general3A = arith.constant dense<0.000000e+00> : vector<128x768xf32>
      %dot_general3A_22 = tpu.matmul %convert_element_type3A_21, %get3A_12, %dot_general3A {dimension_numbers = #tpu.dot_dimension_numbers<[1], [0], [0], [1], [0, 0, 1, 1], [], []>, transpose_lhs_hint = false} : vector<128x2048xf32>, vector<2048x768xf32>, vector<128x768xf32> -> vector<128x768xf32>
      %convert_element_type3A_23 = arith.truncf %dot_general3A_22 : vector<128x768xf32> to vector<128x768xbf16>
      %get3A_24 = arith.constant 0 : index
      %get3A_25 = arith.constant 0 : index
      %get3A_26 = arith.constant 0 : index
      %get3A_27 = vector.load %arg8[%get3A_24, %get3A_25, %get3A_26] : memref<1x768x1536xf32, #tpu.memory_space<vmem>>, vector<1x768x1536xf32>
      %get3A_28 = vector.shape_cast %get3A_27 : vector<1x768x1536xf32> to vector<768x1536xf32>
      %convert_element_type3A_29 = arith.truncf %get3A_28 : vector<768x1536xf32> to vector<768x1536xbf16>
      %dot_general3A_30 = arith.constant dense<0.000000e+00> : vector<128x1536xf32>
      %dot_general3A_31 = tpu.matmul %convert_element_type3A_23, %convert_element_type3A_29, %dot_general3A_30 {dimension_numbers = #tpu.dot_dimension_numbers<[1], [0], [0], [1], [0, 0, 1, 1], [], []>, transpose_lhs_hint = false} : vector<128x768xbf16>, vector<768x1536xbf16>, vector<128x1536xf32> -> vector<128x1536xf32>
      %get3A_32 = arith.constant 0 : index
      %get3A_33 = arith.constant 0 : index
      %get3A_34 = arith.constant 0 : index
      %get3A_35 = vector.load %arg9[%get3A_32, %get3A_33, %get3A_34] : memref<1x768x1536xf32, #tpu.memory_space<vmem>>, vector<1x768x1536xf32>
      %get3A_36 = vector.shape_cast %get3A_35 : vector<1x768x1536xf32> to vector<768x1536xf32>
      %convert_element_type3A_37 = arith.truncf %get3A_36 : vector<768x1536xf32> to vector<768x1536xbf16>
      %dot_general3A_38 = arith.constant dense<0.000000e+00> : vector<128x1536xf32>
      %dot_general3A_39 = tpu.matmul %convert_element_type3A_23, %convert_element_type3A_37, %dot_general3A_38 {dimension_numbers = #tpu.dot_dimension_numbers<[1], [0], [0], [1], [0, 0, 1, 1], [], []>, transpose_lhs_hint = false} : vector<128x768xbf16>, vector<768x1536xbf16>, vector<128x1536xf32> -> vector<128x1536xf32>
      %logistic3A = arith.negf %dot_general3A_39 : vector<128x1536xf32>
      %logistic3A_40 = math.exp %logistic3A : vector<128x1536xf32>
      %logistic3A_41 = arith.constant 1.000000e+00 : f32
      %logistic3A_42 = vector.broadcast %logistic3A_41 : f32 to vector<128x1536xf32>
      %logistic3A_43 = arith.addf %logistic3A_42, %logistic3A_40 : vector<128x1536xf32>
      %logistic3A_44 = arith.divf %logistic3A_42, %logistic3A_43 : vector<128x1536xf32>
      %mul3A = arith.mulf %dot_general3A_39, %logistic3A_44 : vector<128x1536xf32>
      %mul3A_45 = arith.mulf %dot_general3A_31, %mul3A : vector<128x1536xf32>
      %convert_element_type3A_46 = arith.truncf %mul3A_45 : vector<128x1536xf32> to vector<128x1536xbf16>
      %get3A_47 = arith.constant 0 : index
      %get3A_48 = arith.constant 0 : index
      %get3A_49 = arith.constant 0 : index
      %get3A_50 = vector.load %arg10[%get3A_47, %get3A_48, %get3A_49] : memref<1x1536x768xf32, #tpu.memory_space<vmem>>, vector<1x1536x768xf32>
      %get3A_51 = vector.shape_cast %get3A_50 : vector<1x1536x768xf32> to vector<1536x768xf32>
      %convert_element_type3A_52 = arith.truncf %get3A_51 : vector<1536x768xf32> to vector<1536x768xbf16>
      %dot_general3A_53 = arith.constant dense<0.000000e+00> : vector<128x768xf32>
      %dot_general3A_54 = tpu.matmul %convert_element_type3A_46, %convert_element_type3A_52, %dot_general3A_53 {dimension_numbers = #tpu.dot_dimension_numbers<[1], [0], [0], [1], [0, 0, 1, 1], [], []>, transpose_lhs_hint = false} : vector<128x1536xbf16>, vector<1536x768xbf16>, vector<128x768xf32> -> vector<128x768xf32>
      %get3A_55 = arith.constant 0 : index
      %get3A_56 = arith.constant 0 : index
      %get3A_57 = arith.constant 0 : index
      %get3A_58 = vector.load %arg6[%get3A_55, %get3A_56, %get3A_57] : memref<1x1x128xi32, #tpu.memory_space<vmem>>, vector<1x1x128xi32>
      %get3A_59 = vector.shape_cast %get3A_58 : vector<1x1x128xi32> to vector<1x128xi32>
      %get3A_60 = arith.constant 0 : index
      %get3A_61 = arith.constant 0 : index
      %get3A_62 = arith.constant 0 : index
      %get3A_63 = vector.load %arg7[%get3A_60, %get3A_61, %get3A_62] : memref<1x1x128xf32, #tpu.memory_space<vmem>>, vector<1x1x128xf32>
      %get3A_64 = vector.shape_cast %get3A_63 : vector<1x1x128xf32> to vector<1x128xf32>
      %iota3A_65 = tpu.iota {dimensions = array<i32: 0>} : vector<2048x128xi32>
      %eq3A_66 = vector.broadcast %get3A_59 : vector<1x128xi32> to vector<2048x128xi32>
      %eq3A_67 = arith.cmpi eq, %iota3A_65, %eq3A_66 : vector<2048x128xi32>
      %jit3A = arith.constant 0.000000e+00 : f32
      %broadcast_in_dim3A = vector.shape_cast %get3A_64 : vector<1x128xf32> to vector<1x128xf32>
      %broadcast_in_dim3A_68 = vector.broadcast %broadcast_in_dim3A : vector<1x128xf32> to vector<2048x128xf32>
      %broadcast_in_dim3A_69 = vector.broadcast %jit3A : f32 to vector<2048x128xf32>
      %select_n3A = arith.select %eq3A_67, %broadcast_in_dim3A_68, %broadcast_in_dim3A_69 : vector<2048x128xi1>, vector<2048x128xf32>
      %get3A_70 = arith.constant 0 : index
      %get3A_71 = arith.constant 0 : index
      %get3A_72 = vector.load %arg11[%get3A_70, %get3A_71] : memref<2048x768xf32, #tpu.memory_space<vmem>>, vector<2048x768xf32>
      %dot_general3A_73 = arith.constant dense<0.000000e+00> : vector<2048x768xf32>
      %dot_general3A_74 = tpu.matmul %select_n3A, %dot_general3A_54, %dot_general3A_73 {dimension_numbers = #tpu.dot_dimension_numbers<[1], [0], [0], [1], [0, 0, 1, 1], [], []>, transpose_lhs_hint = false} : vector<2048x128xf32>, vector<128x768xf32>, vector<2048x768xf32> -> vector<2048x768xf32>
      %add3A = arith.addf %get3A_72, %dot_general3A_74 : vector<2048x768xf32>
      %swap3A = arith.constant 0 : index
      %swap3A_75 = arith.constant 0 : index
      %swap3A_76 = vector.load %arg11[%swap3A, %swap3A_75] : memref<2048x768xf32, #tpu.memory_space<vmem>>, vector<2048x768xf32>
      tpu.vector_store %arg11[%swap3A, %swap3A_75], %add3A {strides = array<i32>} : memref<2048x768xf32, #tpu.memory_space<vmem>>, vector<2048x768xf32>,
    } else {
    }
    return
  }
  func.func @transform_0(%arg0: i32, %arg1: i32, %arg2: memref<192xi32, #tpu.memory_space<smem>>, %arg3: memref<192xi32, #tpu.memory_space<smem>>) -> (i32, i32) {
    %c0_i32 = arith.constant 0 : i32
    %c0_i32_0 = arith.constant 0 : i32
    %c0_i32_1 = arith.constant 0 : i32
    return %c0_i32, %c0_i32_0 : i32, i32
  }
  func.func @transform_1(%arg0: i32, %arg1: i32, %arg2: memref<192xi32, #tpu.memory_space<smem>>, %arg3: memref<192xi32, #tpu.memory_space<smem>>) -> (i32, i32, i32) {
    %c0_i32 = arith.constant 0 : i32
    %c0_i32_0 = arith.constant 0 : i32
    %c0_i32_1 = arith.constant 0 : i32
    return %arg1, %c0_i32, %c0_i32_0 : i32, i32, i32
  }
  func.func @transform_2(%arg0: i32, %arg1: i32, %arg2: memref<192xi32, #tpu.memory_space<smem>>, %arg3: memref<192xi32, #tpu.memory_space<smem>>) -> (i32, i32, i32) {
    %c0_i32 = arith.constant 0 : i32
    %c0_i32_0 = arith.constant 0 : i32
    %c0_i32_1 = arith.constant 0 : i32
    return %arg1, %c0_i32, %c0_i32_0 : i32, i32, i32
  }
  func.func @transform_3(%arg0: i32, %arg1: i32, %arg2: memref<192xi32, #tpu.memory_space<smem>>, %arg3: memref<192xi32, #tpu.memory_space<smem>>) -> (i32, i32, i32) {
    %c0_i32 = arith.constant 0 : i32
    %c0_i32_0 = arith.constant 0 : i32
    %c0_i32_1 = arith.constant 0 : i32
    return %arg1, %c0_i32, %c0_i32_0 : i32, i32, i32
  }
  func.func @transform_4(%arg0: i32, %arg1: i32, %arg2: memref<192xi32, #tpu.memory_space<smem>>, %arg3: memref<192xi32, #tpu.memory_space<smem>>) -> (i32, i32, i32) {
    %get3A = arith.index_cast %arg1 : i32 to index
    %get3A_0 = memref.load %arg2[%get3A] : memref<192xi32, #tpu.memory_space<smem>>
    %c0_i32 = arith.constant 0 : i32
    %c0_i32_1 = arith.constant 0 : i32
    return %get3A_0, %c0_i32, %arg0 : i32, i32, i32
  }
  func.func @transform_5(%arg0: i32, %arg1: i32, %arg2: memref<192xi32, #tpu.memory_space<smem>>, %arg3: memref<192xi32, #tpu.memory_space<smem>>) -> (i32, i32, i32) {
    %get3A = arith.index_cast %arg1 : i32 to index
    %get3A_0 = memref.load %arg2[%get3A] : memref<192xi32, #tpu.memory_space<smem>>
    %add3A = arith.constant 2 : i32
    %add3A_1 = arith.addi %add3A, %arg0 : i32
    %c0_i32 = arith.constant 0 : i32
    %c0_i32_2 = arith.constant 0 : i32
    return %get3A_0, %c0_i32, %add3A_1 : i32, i32, i32
  }
  func.func @transform_6(%arg0: i32, %arg1: i32, %arg2: memref<192xi32, #tpu.memory_space<smem>>, %arg3: memref<192xi32, #tpu.memory_space<smem>>) -> (i32, i32, i32) {
    %get3A = arith.index_cast %arg1 : i32 to index
    %get3A_0 = memref.load %arg2[%get3A] : memref<192xi32, #tpu.memory_space<smem>>
    %c0_i32 = arith.constant 0 : i32
    %c0_i32_1 = arith.constant 0 : i32
    return %get3A_0, %arg0, %c0_i32 : i32, i32, i32
  }
  func.func @transform_7(%arg0: i32, %arg1: i32, %arg2: memref<192xi32, #tpu.memory_space<smem>>, %arg3: memref<192xi32, #tpu.memory_space<smem>>) -> (i32, i32) {
    %c0_i32 = arith.constant 0 : i32
    %c0_i32_0 = arith.constant 0 : i32
    %c0_i32_1 = arith.constant 0 : i32
    return %c0_i32, %c0_i32_0 : i32, i32
  }
}

</mosaic_0001>

<sc_bundles>
// kernel: gather_offload_async_start.1
scs
__scs_entry_jumppad:
0x0: {  	(pc) =	sbr.rel $0x88, $3  }
0x1: {  	(tag) =	ssettag $0x0;
	lr =	simm.s32 $0x1  }
0x2: {  	[smem:$0x3F9B] =	sst lr;
	_ =	strace $0xD0000000  }
0x3: {  	_ = 	snop  }
0x4: {  	_ = 	snop  }
0x5: {  	_ = 	snop  }
0x6: {  	_ = 	snop  }
0x7: {  	_ = 	snop  }
__scs_overlays_trampoline_lowered:
0x8: {  	[smem:$0x3FAA] =	sst s0  }
0x9: {  	[smem:$0x3FAB] =	sst s1  }
0xa: {  	[smem:$0x3FAC] =	sst s2  }
0xb: {  	[smem:$0x3FAD] =	sst s3  }
0xc: {  	[smem:$0x3FAE] =	sst s4  }
0xd: {  	[smem:$0x3FAF] =	sst s5  }
0xe: {  	[smem:$0x3FB0] =	sst s6  }
0xf: {  	[smem:$0x3FB1] =	sst s7  }
0x10: {  	[smem:$0x3FB2] =	sst s8  }
0x11: {  	[smem:$0x3FB3] =	sst s9;
	s0 =	simm.s32 @!p0 $0x0  }
0x12: {  	s1 =	sld [smem:$0x3F99];
	s0 =	simm.s32 @p0 $0x1  }
0x13: {  	[smem:$0x3FB4] =	sst s0;
	s0 =	simm.s32 @!p1 $0x0  }
0x14: {  	s2 =	sld [smem:$0x3F98];
	s0 =	simm.s32 @p1 $0x1  }
0x15: {  	[smem:$0x3FB5] =	sst s0;
	s0 =	simm.s32 @!p2 $0x0  }
0x16: {  	s3 =	sld [smem:$0x3FDB];
	s0 =	simm.s32 @p2 $0x1  }
0x17: {  	s4 =	simm.s32 $0x1BF5;
	[smem:$0x3FB7] =	sst s0  }
0x18: {  	s0 =	sld [smem:$0x3F9A];
	_ =	swait.ge [sflag:s4], $0x0  }
0x19: {  	s7 =	sld [smem:$0x3F9B]  }
0x1a: {  	s8 =	sadd.s32 $0xFFFFE003, lr  }
0x1b: {  	s9 =	sadd.s32 $0xFFFFFEF7, lr;
	s5 =	simm.s32 $0xFFFFFFFF;
	p2 =	slt.u32 s8, $0xFFFFF086  }
0x1c: {  	p1 =	slt.u32 s9, $0xF7A;
	s5 =	simm.s32 @!p2 $0x0  }
0x1d: {  	s5 =	simm.s32 @p1 $0x1;
	p0 =	seq.s32 s7, s2  }
0x1e: {  	s7 =	smul.u32 @!p0 $0xF7A, s2;
	p2 =	seq.s32 @!p0 s5, $0x0  }
0x1f: {  	s9 =	smul.u32 $0xF7A, s1;
	s8 =	simm.s32 @!p0 $0x1BF5;
	p2 =	por !p2, p0  }
0x20: {  	[sflag:s8] =	ssyncset.s32 @!p0 $0xFFFFF086;
	s6 =	sadd.s32 @!p0 s3, s7;
	s7 =	simm.s32 @!p0 $0x108  }
0x21: {  	s3 =	sadd.s32 s3, s9;
	s6 =	sadd.s32 @!p0 $0x88, s6;
	s7 =	simm.s32 @p2 $0x1082  }
0x22: {  	[simem:s7], [sflag:s8] =	dma.local @!p0 [hbm:s6], $0xF7A  }
0x23: {  	s9 =	sor.u32 $0xD0000000, s2;
	s6 =	simm.s32 $0x108;
	_ =	swait.ge @!p0 [sflag:s8], $0x0  }
0x24: {  	s3 =	sadd.s32 $0x88, s3;
	s6 =	simm.s32 @!p1 $0x1082;
	[sflag:s4] =	ssyncset.s32 $0xFFFFF086  }
0x25: {  	[simem:s6], [sflag:s4] =	dma.local [hbm:s3], $0xF7A  }
0x26: {  	[smem:$0x3F9B] =	sst s1;
	(tag) =	ssettag s2;
	_ =	strace s9  }
0x27: {  	s1 =	sld [smem:$0x3FAB]  }
0x28: {  	s2 =	sld [smem:$0x3FAC]  }
0x29: {  	s4 =	sld [smem:$0x3FAE]  }
0x2a: {  	p0 =	seq.s32 s5, $0x0;
	s5 =	sld [smem:$0x3FAF]  }
0x2b: {  	s6 =	sld [smem:$0x3FB0]  }
0x2c: {  	s7 =	sld [smem:$0x3FB1]  }
0x2d: {  	s3 =	simm.s32 $0x108;
	s8 =	sld [smem:$0x3FB2]  }
0x2e: {  	s3 =	simm.s32 @!p0 $0x1082;
	s9 =	sld [smem:$0x3FB3]  }
0x2f: {  	lr =	sadd.s32 s0, s3;
	s0 =	sld [smem:$0x3FAA]  }
0x30: {  	s3 =	sld [smem:$0x3FAD]  }
0x31: {  	[smem:$0x3FB6] =	sst s10  }
0x32: {  	s10 =	sld [smem:$0x3FB4];
	_ =	sdelay $0x3  }
0x33: {  	p0 =	seq.s32 s10, $0x1;
	s10 =	sld [smem:$0x3FB6];
	_ =	sdelay $0x3  }
0x34: {  	[smem:$0x3FB6] =	sst s10  }
0x35: {  	s10 =	sld [smem:$0x3FB5];
	_ =	sdelay $0x3  }
0x36: {  	p1 =	seq.s32 s10, $0x1;
	s10 =	sld [smem:$0x3FB6];
	_ =	sdelay $0x3  }
0x37: {  	[smem:$0x3FB6] =	sst s10  }
0x38: {  	s10 =	sld [smem:$0x3FB7]  }
0x39: {  	_ = 	snop;
	(pc) =	sbr.ind lr, $3  }
0x3a: {  	_ = 	snop  }
0x3b: {  	_ = 	snop  }
0x3c: {  	p2 =	seq.s32 s10, $0x1;
	s10 =	sld [smem:$0x3FB6]  }
0x3d: {  	_ =	shalt  }
0x3e: {  	_ =	shalt  }
0x3f: {  	_ =	shalt  }
0x40: {  	_ =	shalt  }
0x41: {  	_ =	shalt  }
0x42: {  	_ =	shalt  }
0x43: {  	_ =	shalt  }
0x44: {  	_ =	shalt  }
0x45: {  	_ =	shalt  }
0x46: {  	_ =	shalt  }
0x47: {  	_ =	shalt  }
0x48: {  	_ =	shalt  }
0x49: {  	_ =	shalt  }
0x4a: {  	_ =	shalt  }
0x4b: {  	_ =	shalt  }
0x4c: {  	_ =	shalt  }
0x4d: {  	_ =	shalt  }
0x4e: {  	_ =	shalt  }
0x4f: {  	_ =	shalt  }
0x50: {  	_ =	shalt  }
0x51: {  	_ =	shalt  }
0x52: {  	_ =	shalt  }
0x53: {  	_ =	shalt  }
0x54: {  	_ =	shalt  }
0x55: {  	_ =	shalt  }
0x56: {  	_ =	shalt  }
0x57: {  	_ =	shalt  }
0x58: {  	_ =	shalt  }
0x59: {  	_ =	shalt  }
0x5a: {  	_ =	shalt  }
0x5b: {  	_ =	shalt  }
0x5c: {  	_ =	shalt  }
0x5d: {  	_ =	shalt  }
0x5e: {  	_ =	shalt  }
0x5f: {  	_ =	shalt  }
0x60: {  	_ =	shalt  }
0x61: {  	_ =	shalt  }
0x62: {  	_ =	shalt  }
0x63: {  	_ =	shalt  }
0x64: {  	_ =	shalt  }
0x65: {  	_ =	shalt  }
0x66: {  	_ =	shalt  }
0x67: {  	_ =	shalt  }
0x68: {  	_ =	shalt  }
0x69: {  	_ =	shalt  }
0x6a: {  	_ =	shalt  }
0x6b: {  	_ =	shalt  }
0x6c: {  	_ =	shalt  }
0x6d: {  	_ =	shalt  }
0x6e: {  	_ =	shalt  }
0x6f: {  	_ =	shalt  }
0x70: {  	_ =	shalt  }
0x71: {  	_ =	shalt  }
0x72: {  	_ =	shalt  }
0x73: {  	_ =	shalt  }
0x74: {  	_ =	shalt  }
0x75: {  	_ =	shalt  }
0x76: {  	_ =	shalt  }
0x77: {  	_ =	shalt  }
0x78: {  	_ =	shalt  }
0x79: {  	_ =	shalt  }
0x7a: {  	_ =	shalt  }
0x7b: {  	_ =	shalt  }
0x7c: {  	_ =	shalt  }
0x7d: {  	_ =	shalt  }
0x7e: {  	_ =	shalt  }
0x7f: {  	_ =	shalt  }
0x80: {  	_ =	shalt  }
0x81: {  	_ =	shalt  }
0x82: {  	_ =	shalt  }
0x83: {  	_ =	shalt  }
0x84: {  	_ =	shalt  }
0x85: {  	_ =	shalt  }
0x86: {  	_ =	shalt  }
0x87: {  	_ =	shalt  }
.Lfunc_end0:
.L_simem_size_0:
called_computation.2_lowered:
.L_overlay_start_0:
0x88: {  	s2 =	sld [smem:$0x3FD9]  }
0x89: {  	s3 =	sld [smem:$0x3FFE];
	_ =	sdelay $0x1  }
0x8a: {  	s1 =	srdreg.scid  }
0x8b: {  	s0 =	sand.u32 $0x1, s1  }
0x8c: {  	s16 =	sshll.u32 s0, $0xA;
	s2 =	sadd.s32 s3, s2  }
0x8d: {  	s2 =	sadd.s32 s2, s16  }
0x8e: {  	[smem:$0x3FC2] =	sst s2  }
0x8f: {  	_ = 	snop  }
0x90: {  	(tm) =	ssettm $0x1  }
0x91: {  	s17 =	sld [smem:$0x3FFB];
	_ =	sdelay $0x3  }
0x92: {  	_ =	strace s17  }
0x93: {  	s2 =	sld [smem:$0x3FFC];
	_ =	sdelay $0x3  }
0x94: {  	_ =	strace s2  }
0x95: {  	s2 =	sld [smem:$0x3FFD];
	_ =	sdelay $0x3  }
0x96: {  	_ =	strace s2  }
0x97: {  	_ =	strace $0x8FFFFFFF  }
0x98: {  	s18 =	sld [smem:$0x3FDB];
	_ =	sdelay $0x1  }
0x99: {  	s19 =	simm.s32 $_scs_section_size  }
0x9a: {  	s4 =	simm.s32 $_size__tile_overlayer_lowered;
	s5 =	simm.s32 $_tile_overlayer_lowered  }
0x9b: {  	s22 =	simm.s32 $0x1BFF;
	s21 =	sshll.u32 s5, $0x1;
	s2 =	sadd.s32 s19, s18  }
0x9c: {  	s6 =	simm.s32 $0x0;
	s20 =	sshll.u32 s4, $0x1;
	s4 =	sadd.s32 s21, s2  }
0x9d: {  	[timem:s6], [sflag:s22] =	dma.local [hbm:s4], s20  }
0x9e: {  	_ =	swait.ge [sflag:s22], s20  }
0x9f: {  	s3 =	ssub.s32 $0x0, s20;
	[sflag:s22] =	ssyncset.done $0x0  }
0xa0: {  	[sflag:s22] =	ssyncadd.s32 s3;
	_ =	sdelay $0x1  }
0xa1: {  	s23 =	simm.s32 $0x1B8B  }
0xa2: {  	_ =	swait.ge [sflag:s23], $0x1  }
0xa3: {  	[sflag:s23] =	ssyncset.done $0x0  }
0xa4: {  	s25 =	simm.s32 $0x1B8E;
	s24 =	sld [smem:$0x3FFE];
	[sflag:s23] =	ssyncadd.s32 $0xFFFFFFFF  }
0xa5: {  	s26 =	simm.s32 $execute0_lowered;
	[smem:$0x3FD2] =	sst s25  }
0xa6: {  	s4 =	sshll.u32 s26, $0x1;
	_ =	strace $0x80000049;
	[dreg:$0x1] =	wrdreg $0xFFFFFFFF  }
0xa7: {  	s28 =	simm.s32 $_size_execute0_lowered;
	s2 =	sadd.s32 s2, s4;
	[dreg:$0x0] =	wrdreg $0x0  }
0xa8: {  	s4 =	sshll.u32 s28, $0x1;
	[dreg:$0x2] =	wrdreg s2  }
0xa9: {  	[dreg:$0x3] =	wrdreg s4  }
0xaa: {  	[dreg:$0x4] =	wrdreg $0xC0  }
0xab: {  	_ =	task [dreg:s6], $0x5FFFF  }
0xac: {  	[dreg:$0x1] =	wrdreg $0xFFFFFFFF  }
0xad: {  	[dreg:$0x0] =	wrdreg $0x60  }
0xae: {  	[dreg:$0x2] =	wrdreg s24  }
0xaf: {  	[dreg:$0x3] =	wrdreg $0xA  }
0xb0: {  	_ =	task.clear_ibuf [dreg:s6], $0x4FFFF;
	_ =	strace $0x90000049  }
0xb1: {  	s29 =	simm.s32 $0xA;
	_ =	strace $0x8000004B  }
0xb2: {  	_ =	swait.ge [sflag:s29], $0x1  }
0xb3: {  	[sflag:s29] =	ssyncadd.s32 $0xFFFFFFFF  }
0xb4: {  	_ =	strace $0x9000004B  }
0xb5: {  	_ =	sfence  }
0xb6: {  	s30 =	sld [smem:$0x0];
	_ =	sdelay $0x2  }
0xb7: {  	s31 =	sshll.u32 s1, $0xD;
	s1 =	sshrl.u32 s1, $0x2  }
0xb8: {  	s3 =	sand.u32 $0x4000, s31;
	s1 =	sadd.s32 s1, s30  }
0xb9: {  	s0 =	sor.u32 s3, s0;
	s1 =	sshll.u32 s1, $0x11  }
0xba: {  	s0 =	sor.u32 s1, s0  }
0xbb: {  	s0 =	sadd.s32 $0x8F2B, s0  }
0xbc: {  	[sflag:s0] =	ssyncadd.remote.s32 $0x1  }
0xbd: {  	_ =	sfence.sel $0xFFFF  }
0xbe: {  	[dreg:$0x0] =	wrdreg $0xFFFFFFFF;
	(pc) =	sbr.abs _section_cstart, $3  }
0xbf: {  	[dreg:$0x1] =	wrdreg $0xFFFFFFFF  }
0xc0: {  	_ =	task.clear_ibuf [dreg:s6], $0x2FFFF;
	_ =	strace $0x9FFFFFFF  }
0xc1: {  	(tm) =	ssettm $0x7FFFFFFF  }
tec
execute0_lowered:
.L_overlay_start_1:
0x0: {  	(tag) =	ssettag $0x1  }
0x1: {  	s0 =	srdreg.scid;
	s5 =	rddreg [dreg:$0x0]  }
0x2: {  	s1 =	stileid.u32;
	s6 =	simm.s32 $0x1;
	s9 =	simm.s32 $0x1  }
0x3: {  	s10 =	simm.s32 $0x3;
	s13 =	simm.s32 $0x0;
	s2 =	sshll.u32 s0, $0x8  }
0x4: {  	s12 =	simm.s32 $0x0;
	s3 =	sshll.u32 s1, $0x9;
	s2 =	sand.u32 $0x100, s2  }
0x5: {  	s0 =	rddreg [dreg:$0x1];
	_ =	strace $0x8000004A;
	s2 =	sor.u32 s3, s2  }
0x6: {  	s4 =	sadd.s32 $0x3800, s5;
	[sflag:s6] =	ssyncpa.u1 $0x0;
	s8 =	ssub.s32 $0x4000, s2  }
.Ltmp0:
0x7: {  	s3 =	sadd.s32 $0x4000, s5;
	s7 =	sand.u32 $0x1F00, s8;
	(pc) =	sbr.rel .LBB2_1-.Ltmp0, $4  }
0x8: {  	s5 =	sadd.s32 $0x5800, s5;
	s11 =	smov.u32 s2;
	p0 =	sne.s32 s7, $0x0  }
0x9: {  	s8 =	sshrl.u32 s8, $0xD;
	s7 =	simm.s32 $0x2;
	s9 =	simm.s32 @!p0 $0x0  }
0xa: {  	[sflag:s7] =	ssyncpa.u1 $0x0;
	p0 =	por $0x0, $0x0;
	s8 =	sadd.s32 s9, s8  }
0xb: {  	vm0 =	vmmov $0xffff;
	[sflag:s10] =	ssyncpa.u1 $0x0;
	s10 =	simm.s32 $0x0;
	s9 =	sadd.s32 $0x1, s8  }
.LBB2_4:
0xc: {  	v2 =	vnsel vm1, $0x0, v2  }
0xd: {  	vm1 =	vgt.s32 v0, $0x0;
	v2 =	vmin.u32 v2, $0x3FFF  }
0xe: {  	v0 =	vnsel vm1, $0x0, v0  }
0xf: {  	v0 =	vmin.u32 v0, $0x3FFF  }
0x10: {  	[tilespmem:s15], [sflag:$0x1] =	stream.indirect_vreg.gather [hbm4b:s3+s10], $0x1, v1, vm0, $0x4038;
	[tilespmem:$0x400] =	vst v63  }
0x11: {  	(ifvalue) =	ssetifvalue $0x7FFFFFFF  }
0x12: {  	[tilespmem:s16], [sflag:$0x1] =	stream.indirect_vreg.gather [hbm4b:s3+s10], $0x1, v2, vm0, $0x4038;
	[tilespmem:$0x400] =	vst v63  }
0x13: {  	s29 =	sadd.s32 $0x10, s16;
	(ifvalue) =	ssetifvalue $0x7FFFFFFF  }
0x14: {  	[tilespmem:s29], [sflag:$0x1] =	stream.indirect_vreg.gather [hbm4b:s3+s10], $0x1, v0, vm0, $0x4038;
	[tilespmem:$0x400] =	vst v63  }
0x15: {  	_ =	swait.ge [sflag:s6], $0x100  }
0x16: {  	s30 =	sshrl.u32 s13, $0x3;
	[sflag:s6] =	ssyncset.done $0x0  }
0x17: {  	s31 =	sand.u32 $0x7, s13;
	s15 =	sadd.s32 s5, s30;
	[sflag:s6] =	ssyncadd.s32 $0xFFFFFF00  }
0x18: {  	[hbm4b:s15+s31] =	stream.linear.scatter [tilespmem:s14], [sflag:$0x3], $0x100, $0x38;
	[tilespmem:$0x400] =	vst v63  }
.LBB2_5:
0x19: {  	s15 =	sadd.s32 $0x2000, s11  }
0x1a: {  	p2 =	sgt.s32 s15, $0x3FFF  }
0x1b: {  	s15 =	smov.u32 @p2 s2;
	p2 =	sne.s32 s12, s9  }
.Ltmp1:
0x1c: {  	p1 =	slt.u32 s12, $0x2;
	(pc) =	sbr.rel @!p2 .LBB2_6-.Ltmp1, $4  }
0x1d: {  	s14 =	simm.s32 @!p1 $0x3  }
0x1e: {  	s16 =	sadd.s32 $0x1, s12;
	_ =	swait.ge @!p1 [sflag:s14], $0x100  }
0x1f: {  	s13 =	smov.u32 s11;
	p0 =	por !p0, !p0;
	[sflag:s14] =	ssyncset.done @!p1 $0x0  }
0x20: {  	s12 =	smov.u32 s16;
	s11 =	smov.u32 s15;
	[sflag:s14] =	ssyncadd.s32 @!p1 $0xFFFFFF00  }
.LBB2_1:
0x21: {  	p1 =	sge.u32 s12, s8  }
0x22: {  	s14 =	sxor.u32 @!p1 $0xFFFFFFFF, s12  }
0x23: {  	s31 =	sadd.s32 $0xFFFFFFFF, s12;
	s15 =	sshrl.u32 @!p1 s11, $0x3;
	s14 =	sshll.u32 @!p1 s14, $0x8  }
0x24: {  	s16 =	sand.u32 @!p1 $0x7, s11;
	s15 =	sadd.s32 @!p1 s4, s15;
	s14 =	sand.u32 @!p1 $0x100, s14  }
0x25: {  	[tilespmem:s14], [sflag:$0x2] =	stream.linear.gather @!p1 [hbm4b:s15+s16], $0x100, $0x38;
	[tilespmem:$0x400] =	vst v63  }
0x26: {  	p1 =	sge.u32 s31, s8  }
.Ltmp2:
0x27: {  	_ = 	snop;
	(pc) =	sbr.rel @p1 .LBB2_5-.Ltmp2, $1  }
0x28: {  	_ =	sdelay $0x3  }
0x29: {  	s14 =	simm.s32 $0x1  }
0x2a: {  	_ =	swait.ge [sflag:s7], $0x100;
	s14 =	simm.s32 @!p0 $0x0  }
0x2b: {  	[sflag:s7] =	ssyncset.done $0x0;
	s14 =	sshll.u32 s14, $0x8  }
0x2c: {  	[sflag:s7] =	ssyncadd.s32 $0xFFFFFF00;
	(ifvalue) =	ssetifvalue $0x7FFFFFFF;
	v0 =	vld.msk [tilespmem:s14+$0x0 ss:$0x1], $0xffff;
	_ =	sdelay $0x4  }
0x2d: {  	s15 =	sadd.s32 $0x10, s14;
	vm1 =	vgt.s32 v0, $0x0  }
0x2e: {  	v2 =	vld.msk [tilespmem:s15+$0x0 ss:$0x1], $0xffff;
	v1 =	vnsel vm1, $0x0, v0  }
0x2f: {  	v1 =	vmin.u32 v1, $0x3FFF;
	_ =	sdelay $0x1  }
0x30: {  	s16 =	sshll.u32 s12, $0x8;
	s18 =	simm.s32 $0x20  }
0x31: {  	s16 =	sand.u32 $0x100, s16;
	s17 =	sadd.s32 $0x10, s15;
	s15 =	sor.u32 $0x200, s14  }
0x32: {  	s14 =	sor.u32 $0x200, s16;
	s16 =	sadd.s32 $0x10, s15;
	v0 =	vld.msk [tilespmem:s17+$0x0 ss:$0x1], $0xffff;
	vm1 =	vgt.s32 v2, $0x0;
	(ifvalue) =	ssetifvalue $0x7FFFFFFF  }
.LBB2_3:
0x33: {  	[tilespmem:s15], [sflag:$0x1] =	stream.indirect_vreg.gather [hbm4b:s3+s10], $0x1, v1, vm0, $0x4038;
	[tilespmem:$0x400] =	vst v63  }
0x34: {  	s18 =	sadd.s32 $0x10, s18  }
0x35: {  	v2 =	vnsel vm1, $0x0, v2;
	p1 =	slt.u32 s18, $0xF0  }
.Ltmp3:
0x36: {  	s15 =	smov.u32 s16;
	v1 =	vmin.u32 v2, $0x3FFF;
	(pc) =	sbr.rel @p1 .LBB2_3-.Ltmp3, $3  }
0x37: {  	_ =	sdelay $0x1  }
0x38: {  	s17 =	sadd.s32 $0x10, s17  }
0x39: {  	vm1 =	vgt.s32 v0, $0x0;
	s16 =	sadd.s32 $0x10, s16;
	v2 =	vmov v0;
	(ifvalue) =	ssetifvalue $0x7FFFFFFF;
	v0 =	vld.msk [tilespmem:s17+$0x0 ss:$0x1], $0xffff  }
.Ltmp4:
0x3a: {  	_ = 	snop;
	(pc) =	sbr.rel .LBB2_4-.Ltmp4, $1  }
0x3b: {  	_ =	sdelay $0x3  }
.LBB2_6:
0x3c: {  	_ =	sfence.sel $0x180000  }
0x3d: {  	s2 =	simm.s32 $0x2;
	[bflag:$0x0] =	sbarrier.arrive $0xFFFF  }
0x3e: {  	s30 =	simm.s32 $0x3;
	[sflag:s2] =	ssyncpa.u1 $0x1  }
0x3f: {  	s31 =	simm.s32 $0x1;
	[sflag:s30] =	ssyncpa.u1 $0x1  }
0x40: {  	[sflag:s31] =	ssyncpa.u1 $0x1  }
0x41: {  	p0 =	sne.s32 s1, $0x0;
	_ =	strace $0x9000004A  }
0x42: {  	s0 =	sadd.s32 @!p0 $0x100000, s0;
	[bflag:$0x2] =	sbarrier.arrive $0xFFFF  }
0x43: {  	[sflag:s0] =	ssyncadd.tile.s32 @!p0 $0x1;
	_ =	shalt  }
.Lfunc_end2:
_tile_overlayer_lowered:
.L_overlay_start_2:
0x44: {  	(tag) =	ssettag $0x2  }
0x45: {  	s0 =	rddreg [dreg:$0x0];
	s2 =	stileid.u32  }
0x46: {  	s1 =	rddreg [dreg:$0x1];
	p0 =	sne.s32 s2, $0x0  }
0x47: {  	s3 =	rddreg [dreg:$0x2];
	[bflag:$0x3] =	sbarrier.arrive $0xFFFF;
	s2 =	simm.s32 @!p0 $0x1C01  }
0x48: {  	[timem:s3], [sflag:s2] =	dma.local @!p0 [hbm:s0], s1  }
0x49: {  	s0 =	simm.s32 @!p0 $0x1  }
0x4a: {  	_ =	swait.ge @!p0 [sflag:s0], s1  }
0x4b: {  	s1 =	ssub.s32 @!p0 $0x0, s1;
	[sflag:s0] =	ssyncset.done @!p0 $0x0  }
0x4c: {  	[sflag:s0] =	ssyncadd.s32 @!p0 s1  }
0x4d: {  	[bflag:$0x3] =	sbarrier.arrive $0xFFFF  }
0x4e: {  	_ =	shalt  }

// kernel: gather_offload_async_start.2
scs
__scs_entry_jumppad:
0x0: {  	(pc) =	sbr.rel $0x88, $3  }
0x1: {  	(tag) =	ssettag $0x0;
	lr =	simm.s32 $0x1  }
0x2: {  	[smem:$0x3F9B] =	sst lr;
	_ =	strace $0xD0000000  }
0x3: {  	_ = 	snop  }
0x4: {  	_ = 	snop  }
0x5: {  	_ = 	snop  }
0x6: {  	_ = 	snop  }
0x7: {  	_ = 	snop  }
__scs_overlays_trampoline_lowered:
0x8: {  	[smem:$0x3FAA] =	sst s0  }
0x9: {  	[smem:$0x3FAB] =	sst s1  }
0xa: {  	[smem:$0x3FAC] =	sst s2  }
0xb: {  	[smem:$0x3FAD] =	sst s3  }
0xc: {  	[smem:$0x3FAE] =	sst s4  }
0xd: {  	[smem:$0x3FAF] =	sst s5  }
0xe: {  	[smem:$0x3FB0] =	sst s6  }
0xf: {  	[smem:$0x3FB1] =	sst s7  }
0x10: {  	[smem:$0x3FB2] =	sst s8  }
0x11: {  	[smem:$0x3FB3] =	sst s9;
	s0 =	simm.s32 @!p0 $0x0  }
0x12: {  	s1 =	sld [smem:$0x3F99];
	s0 =	simm.s32 @p0 $0x1  }
0x13: {  	[smem:$0x3FB4] =	sst s0;
	s0 =	simm.s32 @!p1 $0x0  }
0x14: {  	s2 =	sld [smem:$0x3F98];
	s0 =	simm.s32 @p1 $0x1  }
0x15: {  	[smem:$0x3FB5] =	sst s0;
	s0 =	simm.s32 @!p2 $0x0  }
0x16: {  	s3 =	sld [smem:$0x3FDB];
	s0 =	simm.s32 @p2 $0x1  }
0x17: {  	s4 =	simm.s32 $0x1BF5;
	[smem:$0x3FB7] =	sst s0  }
0x18: {  	s0 =	sld [smem:$0x3F9A];
	_ =	swait.ge [sflag:s4], $0x0  }
0x19: {  	s7 =	sld [smem:$0x3F9B]  }
0x1a: {  	s8 =	sadd.s32 $0xFFFFE003, lr  }
0x1b: {  	s9 =	sadd.s32 $0xFFFFFEF7, lr;
	s5 =	simm.s32 $0xFFFFFFFF;
	p2 =	slt.u32 s8, $0xFFFFF086  }
0x1c: {  	p1 =	slt.u32 s9, $0xF7A;
	s5 =	simm.s32 @!p2 $0x0  }
0x1d: {  	s5 =	simm.s32 @p1 $0x1;
	p0 =	seq.s32 s7, s2  }
0x1e: {  	s7 =	smul.u32 @!p0 $0xF7A, s2;
	p2 =	seq.s32 @!p0 s5, $0x0  }
0x1f: {  	s9 =	smul.u32 $0xF7A, s1;
	s8 =	simm.s32 @!p0 $0x1BF5;
	p2 =	por !p2, p0  }
0x20: {  	[sflag:s8] =	ssyncset.s32 @!p0 $0xFFFFF086;
	s6 =	sadd.s32 @!p0 s3, s7;
	s7 =	simm.s32 @!p0 $0x108  }
0x21: {  	s3 =	sadd.s32 s3, s9;
	s6 =	sadd.s32 @!p0 $0x88, s6;
	s7 =	simm.s32 @p2 $0x1082  }
0x22: {  	[simem:s7], [sflag:s8] =	dma.local @!p0 [hbm:s6], $0xF7A  }
0x23: {  	s9 =	sor.u32 $0xD0000000, s2;
	s6 =	simm.s32 $0x108;
	_ =	swait.ge @!p0 [sflag:s8], $0x0  }
0x24: {  	s3 =	sadd.s32 $0x88, s3;
	s6 =	simm.s32 @!p1 $0x1082;
	[sflag:s4] =	ssyncset.s32 $0xFFFFF086  }
0x25: {  	[simem:s6], [sflag:s4] =	dma.local [hbm:s3], $0xF7A  }
0x26: {  	[smem:$0x3F9B] =	sst s1;
	(tag) =	ssettag s2;
	_ =	strace s9  }
0x27: {  	s1 =	sld [smem:$0x3FAB]  }
0x28: {  	s2 =	sld [smem:$0x3FAC]  }
0x29: {  	s4 =	sld [smem:$0x3FAE]  }
0x2a: {  	p0 =	seq.s32 s5, $0x0;
	s5 =	sld [smem:$0x3FAF]  }
0x2b: {  	s6 =	sld [smem:$0x3FB0]  }
0x2c: {  	s7 =	sld [smem:$0x3FB1]  }
0x2d: {  	s3 =	simm.s32 $0x108;
	s8 =	sld [smem:$0x3FB2]  }
0x2e: {  	s3 =	simm.s32 @!p0 $0x1082;
	s9 =	sld [smem:$0x3FB3]  }
0x2f: {  	lr =	sadd.s32 s0, s3;
	s0 =	sld [smem:$0x3FAA]  }
0x30: {  	s3 =	sld [smem:$0x3FAD]  }
0x31: {  	[smem:$0x3FB6] =	sst s10  }
0x32: {  	s10 =	sld [smem:$0x3FB4];
	_ =	sdelay $0x3  }
0x33: {  	p0 =	seq.s32 s10, $0x1;
	s10 =	sld [smem:$0x3FB6];
	_ =	sdelay $0x3  }
0x34: {  	[smem:$0x3FB6] =	sst s10  }
0x35: {  	s10 =	sld [smem:$0x3FB5];
	_ =	sdelay $0x3  }
0x36: {  	p1 =	seq.s32 s10, $0x1;
	s10 =	sld [smem:$0x3FB6];
	_ =	sdelay $0x3  }
0x37: {  	[smem:$0x3FB6] =	sst s10  }
0x38: {  	s10 =	sld [smem:$0x3FB7]  }
0x39: {  	_ = 	snop;
	(pc) =	sbr.ind lr, $3  }
0x3a: {  	_ = 	snop  }
0x3b: {  	_ = 	snop  }
0x3c: {  	p2 =	seq.s32 s10, $0x1;
	s10 =	sld [smem:$0x3FB6]  }
0x3d: {  	_ =	shalt  }
0x3e: {  	_ =	shalt  }
0x3f: {  	_ =	shalt  }
0x40: {  	_ =	shalt  }
0x41: {  	_ =	shalt  }
0x42: {  	_ =	shalt  }
0x43: {  	_ =	shalt  }
0x44: {  	_ =	shalt  }
0x45: {  	_ =	shalt  }
0x46: {  	_ =	shalt  }
0x47: {  	_ =	shalt  }
0x48: {  	_ =	shalt  }
0x49: {  	_ =	shalt  }
0x4a: {  	_ =	shalt  }
0x4b: {  	_ =	shalt  }
0x4c: {  	_ =	shalt  }
0x4d: {  	_ =	shalt  }
0x4e: {  	_ =	shalt  }
0x4f: {  	_ =	shalt  }
0x50: {  	_ =	shalt  }
0x51: {  	_ =	shalt  }
0x52: {  	_ =	shalt  }
0x53: {  	_ =	shalt  }
0x54: {  	_ =	shalt  }
0x55: {  	_ =	shalt  }
0x56: {  	_ =	shalt  }
0x57: {  	_ =	shalt  }
0x58: {  	_ =	shalt  }
0x59: {  	_ =	shalt  }
0x5a: {  	_ =	shalt  }
0x5b: {  	_ =	shalt  }
0x5c: {  	_ =	shalt  }
0x5d: {  	_ =	shalt  }
0x5e: {  	_ =	shalt  }
0x5f: {  	_ =	shalt  }
0x60: {  	_ =	shalt  }
0x61: {  	_ =	shalt  }
0x62: {  	_ =	shalt  }
0x63: {  	_ =	shalt  }
0x64: {  	_ =	shalt  }
0x65: {  	_ =	shalt  }
0x66: {  	_ =	shalt  }
0x67: {  	_ =	shalt  }
0x68: {  	_ =	shalt  }
0x69: {  	_ =	shalt  }
0x6a: {  	_ =	shalt  }
0x6b: {  	_ =	shalt  }
0x6c: {  	_ =	shalt  }
0x6d: {  	_ =	shalt  }
0x6e: {  	_ =	shalt  }
0x6f: {  	_ =	shalt  }
0x70: {  	_ =	shalt  }
0x71: {  	_ =	shalt  }
0x72: {  	_ =	shalt  }
0x73: {  	_ =	shalt  }
0x74: {  	_ =	shalt  }
0x75: {  	_ =	shalt  }
0x76: {  	_ =	shalt  }
0x77: {  	_ =	shalt  }
0x78: {  	_ =	shalt  }
0x79: {  	_ =	shalt  }
0x7a: {  	_ =	shalt  }
0x7b: {  	_ =	shalt  }
0x7c: {  	_ =	shalt  }
0x7d: {  	_ =	shalt  }
0x7e: {  	_ =	shalt  }
0x7f: {  	_ =	shalt  }
0x80: {  	_ =	shalt  }
0x81: {  	_ =	shalt  }
0x82: {  	_ =	shalt  }
0x83: {  	_ =	shalt  }
0x84: {  	_ =	shalt  }
0x85: {  	_ =	shalt  }
0x86: {  	_ =	shalt  }
0x87: {  	_ =	shalt  }
.Lfunc_end0:
.L_simem_size_0:
called_computation.3_lowered:
.L_overlay_start_0:
0x88: {  	s2 =	sld [smem:$0x3FD9]  }
0x89: {  	s3 =	sld [smem:$0x3FFE];
	_ =	sdelay $0x1  }
0x8a: {  	s1 =	srdreg.scid  }
0x8b: {  	s0 =	sand.u32 $0x1, s1  }
0x8c: {  	s17 =	sshll.u32 s0, $0xA;
	s2 =	sadd.s32 s3, s2  }
0x8d: {  	s2 =	sadd.s32 s2, s17  }
0x8e: {  	[smem:$0x3FC2] =	sst s2  }
0x8f: {  	_ = 	snop  }
0x90: {  	(tm) =	ssettm $0x1  }
0x91: {  	s18 =	sld [smem:$0x3FFB];
	_ =	sdelay $0x3  }
0x92: {  	_ =	strace s18  }
0x93: {  	s2 =	sld [smem:$0x3FFC];
	_ =	sdelay $0x3  }
0x94: {  	_ =	strace s2  }
0x95: {  	s2 =	sld [smem:$0x3FFD];
	_ =	sdelay $0x3  }
0x96: {  	_ =	strace s2  }
0x97: {  	_ =	strace $0x8FFFFFFF  }
0x98: {  	s19 =	sld [smem:$0x3FDB];
	_ =	sdelay $0x1  }
0x99: {  	s20 =	simm.s32 $_scs_section_size  }
0x9a: {  	s4 =	simm.s32 $_size__tile_overlayer_lowered;
	s5 =	simm.s32 $_tile_overlayer_lowered  }
0x9b: {  	s6 =	simm.s32 $0x1BFF;
	s21 =	sshll.u32 s5, $0x1;
	s3 =	sadd.s32 s20, s19  }
0x9c: {  	s22 =	simm.s32 $0x0;
	s4 =	sshll.u32 s4, $0x1;
	s5 =	sadd.s32 s21, s3  }
0x9d: {  	[timem:s22], [sflag:s6] =	dma.local [hbm:s5], s4  }
0x9e: {  	_ =	swait.ge [sflag:s6], s4  }
0x9f: {  	s4 =	ssub.s32 $0x0, s4;
	[sflag:s6] =	ssyncset.done $0x0  }
0xa0: {  	[sflag:s6] =	ssyncadd.s32 s4;
	_ =	sdelay $0x1  }
0xa1: {  	s23 =	simm.s32 $0x1B8B  }
0xa2: {  	_ =	swait.ge [sflag:s23], $0x1  }
0xa3: {  	[sflag:s23] =	ssyncset.done $0x0  }
0xa4: {  	[sflag:s23] =	ssyncadd.s32 $0xFFFFFFFF  }
0xa5: {  	s4 =	sld [smem:$0x0]  }
0xa6: {  	s5 =	sand.u32 $0xFFFFFFFE, s1  }
0xa7: {  	p0 =	sne.s32 s1, s5  }
0xa8: {  	s5 =	sshll.u32 @p0 s5, $0xE  }
0xa9: {  	s5 =	sadd.s32 @p0 $0x11B8D, s5;
	s6 =	sshll.u32 @p0 s4, $0x11  }
0xaa: {  	s5 =	sor.u32 @p0 s6, s5  }
0xab: {  	[sflag:s5] =	ssyncadd.remote.s32 @p0 $0x1;
	_ =	sdelay $0x1  }
0xac: {  	s5 =	simm.s32 @p0 $0x1B8D  }
0xad: {  	_ =	swait.eq @p0 [sflag:s5], $0x1  }
0xae: {  	[sflag:s5] =	ssyncadd.s32 @p0 $0xFFFFFFFF  }
0xaf: {  	s6 =	sshll.u32 @!p0 s1, $0xE  }
0xb0: {  	s6 =	sor.u32 @!p0 $0x4000, s6;
	s5 =	simm.s32 @!p0 $0x1B8D  }
0xb1: {  	s4 =	sshll.u32 @!p0 s4, $0x11;
	s6 =	sadd.s32 @!p0 $0x11B8D, s6;
	_ =	swait.eq @!p0 [sflag:s5], $0x1  }
0xb2: {  	s4 =	sor.u32 @!p0 s4, s6;
	[sflag:s5] =	ssyncadd.s32 @!p0 $0xFFFFFFFF  }
0xb3: {  	s25 =	simm.s32 $0x1B8E;
	s24 =	sld [smem:$0x3FFE];
	[sflag:s4] =	ssyncadd.remote.s32 @!p0 $0x1  }
0xb4: {  	s26 =	simm.s32 $execute0_lowered;
	[smem:$0x3FD2] =	sst s25  }
0xb5: {  	s5 =	sshll.u32 s26, $0x1;
	_ =	strace $0x80000052;
	[dreg:$0x1] =	wrdreg $0xFFFFFFFF  }
0xb6: {  	s28 =	simm.s32 $_size_execute0_lowered;
	s3 =	sadd.s32 s3, s5;
	[dreg:$0x0] =	wrdreg $0x0  }
0xb7: {  	s5 =	sshll.u32 s28, $0x1;
	[dreg:$0x2] =	wrdreg s3  }
0xb8: {  	[dreg:$0x3] =	wrdreg s5  }
0xb9: {  	[dreg:$0x4] =	wrdreg $0xC0  }
0xba: {  	_ =	task [dreg:s22], $0x5FFFF  }
0xbb: {  	[dreg:$0x1] =	wrdreg $0xFFFFFFFF  }
0xbc: {  	[dreg:$0x0] =	wrdreg $0x60  }
0xbd: {  	[dreg:$0x2] =	wrdreg s24  }
0xbe: {  	[dreg:$0x3] =	wrdreg $0x9  }
0xbf: {  	_ =	task.clear_ibuf [dreg:s22], $0x4FFFF;
	_ =	strace $0x90000052  }
0xc0: {  	s29 =	simm.s32 $0x9;
	_ =	strace $0x80000054  }
0xc1: {  	_ =	swait.ge [sflag:s29], $0x1  }
0xc2: {  	[sflag:s29] =	ssyncadd.s32 $0xFFFFFFFF  }
0xc3: {  	_ =	strace $0x90000054  }
0xc4: {  	_ =	sfence  }
0xc5: {  	s30 =	sld [smem:$0x0];
	_ =	sdelay $0x2  }
0xc6: {  	s31 =	sshll.u32 s1, $0xD;
	s1 =	sshrl.u32 s1, $0x2  }
0xc7: {  	s4 =	sand.u32 $0x4000, s31;
	s1 =	sadd.s32 s1, s30  }
0xc8: {  	s0 =	sor.u32 s4, s0;
	s1 =	sshll.u32 s1, $0x11  }
0xc9: {  	s0 =	sor.u32 s1, s0  }
0xca: {  	s0 =	sadd.s32 $0x8F2B, s0  }
0xcb: {  	[sflag:s0] =	ssyncadd.remote.s32 $0x1  }
0xcc: {  	_ =	sfence.sel $0xFFFF  }
0xcd: {  	[dreg:$0x0] =	wrdreg $0xFFFFFFFF;
	(pc) =	sbr.abs _section_cstart, $3  }
0xce: {  	[dreg:$0x1] =	wrdreg $0xFFFFFFFF  }
0xcf: {  	_ =	task.clear_ibuf [dreg:s22], $0x2FFFF;
	_ =	strace $0x9FFFFFFF  }
0xd0: {  	(tm) =	ssettm $0x7FFFFFFF  }
0xd1: {  	_ =	shalt  }
tec
execute0_lowered:
.L_overlay_start_1:
0x0: {  	(tag) =	ssettag $0x1  }
0x1: {  	s0 =	srdreg.scid;
	s5 =	rddreg [dreg:$0x0]  }
0x2: {  	s1 =	stileid.u32;
	s6 =	simm.s32 $0x1;
	s9 =	simm.s32 $0x1  }
0x3: {  	s10 =	simm.s32 $0x3;
	s13 =	simm.s32 $0x0;
	s2 =	sshll.u32 s0, $0x9  }
0x4: {  	s12 =	simm.s32 $0x0;
	s3 =	sshll.u32 s1, $0xA;
	s2 =	sand.u32 $0x200, s2  }
0x5: {  	s0 =	rddreg [dreg:$0x1];
	_ =	strace $0x80000053;
	s2 =	sor.u32 s3, s2  }
0x6: {  	s4 =	sadd.s32 $0x4C00, s5;
	[sflag:s6] =	ssyncpa.u1 $0x0;
	s8 =	ssub.s32 $0x6000, s2  }
.Ltmp0:
0x7: {  	s3 =	sadd.s32 $0x6000, s5;
	s7 =	sand.u32 $0x3E00, s8;
	(pc) =	sbr.rel .LBB2_1-.Ltmp0, $4  }
0x8: {  	s5 =	sadd.s32 $0x2E00, s5;
	s11 =	smov.u32 s2;
	p0 =	sne.s32 s7, $0x0  }
0x9: {  	s8 =	sshrl.u32 s8, $0xE;
	s7 =	simm.s32 $0x2;
	s9 =	simm.s32 @!p0 $0x0  }
0xa: {  	[sflag:s7] =	ssyncpa.u1 $0x0;
	p0 =	por $0x0, $0x0;
	s8 =	sadd.s32 s9, s8  }
0xb: {  	vm0 =	vmmov $0xffff;
	[sflag:s10] =	ssyncpa.u1 $0x0;
	s10 =	simm.s32 $0x0;
	s9 =	sadd.s32 $0x1, s8  }
.LBB2_4:
0xc: {  	v2 =	vnsel vm1, $0x0, v2  }
0xd: {  	vm1 =	vgt.s32 v0, $0x0;
	v2 =	vmin.u32 v2, $0x3FFF  }
0xe: {  	v0 =	vnsel vm1, $0x0, v0  }
0xf: {  	v0 =	vmin.u32 v0, $0x3FFF  }
0x10: {  	[tilespmem:s15], [sflag:$0x1] =	stream.indirect_vreg.gather [hbm4b:s3+s10], $0x1, v1, vm0, $0x4038;
	[tilespmem:$0x800] =	vst v63  }
0x11: {  	(ifvalue) =	ssetifvalue $0x7FFFFFFF  }
0x12: {  	[tilespmem:s16], [sflag:$0x1] =	stream.indirect_vreg.gather [hbm4b:s3+s10], $0x1, v2, vm0, $0x4038;
	[tilespmem:$0x800] =	vst v63  }
0x13: {  	s29 =	sadd.s32 $0x10, s16;
	(ifvalue) =	ssetifvalue $0x7FFFFFFF  }
0x14: {  	[tilespmem:s29], [sflag:$0x1] =	stream.indirect_vreg.gather [hbm4b:s3+s10], $0x1, v0, vm0, $0x4038;
	[tilespmem:$0x800] =	vst v63  }
0x15: {  	_ =	swait.ge [sflag:s6], $0x200  }
0x16: {  	s30 =	sshrl.u32 s13, $0x3;
	[sflag:s6] =	ssyncset.done $0x0  }
0x17: {  	s31 =	sand.u32 $0x7, s13;
	s15 =	sadd.s32 s5, s30;
	[sflag:s6] =	ssyncadd.s32 $0xFFFFFE00  }
0x18: {  	[hbm4b:s15+s31] =	stream.linear.scatter [tilespmem:s14], [sflag:$0x3], $0x200, $0x38;
	[tilespmem:$0x800] =	vst v63  }
.LBB2_5:
0x19: {  	s15 =	sadd.s32 $0x4000, s11  }
0x1a: {  	p2 =	sgt.s32 s15, $0x5FFF  }
0x1b: {  	s15 =	smov.u32 @p2 s2;
	p2 =	sne.s32 s12, s9  }
.Ltmp1:
0x1c: {  	p1 =	slt.u32 s12, $0x2;
	(pc) =	sbr.rel @!p2 .LBB2_6-.Ltmp1, $4  }
0x1d: {  	s14 =	simm.s32 @!p1 $0x3  }
0x1e: {  	s16 =	sadd.s32 $0x1, s12;
	_ =	swait.ge @!p1 [sflag:s14], $0x200  }
0x1f: {  	s13 =	smov.u32 s11;
	p0 =	por !p0, !p0;
	[sflag:s14] =	ssyncset.done @!p1 $0x0  }
0x20: {  	s12 =	smov.u32 s16;
	s11 =	smov.u32 s15;
	[sflag:s14] =	ssyncadd.s32 @!p1 $0xFFFFFE00  }
.LBB2_1:
0x21: {  	p1 =	sge.u32 s12, s8  }
0x22: {  	s14 =	sxor.u32 @!p1 $0xFFFFFFFF, s12  }
0x23: {  	s31 =	sadd.s32 $0xFFFFFFFF, s12;
	s15 =	sshrl.u32 @!p1 s11, $0x3;
	s14 =	sshll.u32 @!p1 s14, $0x9  }
0x24: {  	s16 =	sand.u32 @!p1 $0x7, s11;
	s15 =	sadd.s32 @!p1 s4, s15;
	s14 =	sand.u32 @!p1 $0x200, s14  }
0x25: {  	[tilespmem:s14], [sflag:$0x2] =	stream.linear.gather @!p1 [hbm4b:s15+s16], $0x200, $0x38;
	[tilespmem:$0x800] =	vst v63  }
0x26: {  	p1 =	sge.u32 s31, s8  }
.Ltmp2:
0x27: {  	_ = 	snop;
	(pc) =	sbr.rel @p1 .LBB2_5-.Ltmp2, $1  }
0x28: {  	_ =	sdelay $0x3  }
0x29: {  	s14 =	simm.s32 $0x1  }
0x2a: {  	_ =	swait.ge [sflag:s7], $0x200;
	s14 =	simm.s32 @!p0 $0x0  }
0x2b: {  	[sflag:s7] =	ssyncset.done $0x0;
	s14 =	sshll.u32 s14, $0x9  }
0x2c: {  	[sflag:s7] =	ssyncadd.s32 $0xFFFFFE00;
	(ifvalue) =	ssetifvalue $0x7FFFFFFF;
	v0 =	vld.msk [tilespmem:s14+$0x0 ss:$0x1], $0xffff;
	_ =	sdelay $0x4  }
0x2d: {  	s15 =	sadd.s32 $0x10, s14;
	vm1 =	vgt.s32 v0, $0x0  }
0x2e: {  	v2 =	vld.msk [tilespmem:s15+$0x0 ss:$0x1], $0xffff;
	v1 =	vnsel vm1, $0x0, v0  }
0x2f: {  	v1 =	vmin.u32 v1, $0x3FFF;
	_ =	sdelay $0x1  }
0x30: {  	s16 =	sshll.u32 s12, $0x9;
	s18 =	simm.s32 $0x20  }
0x31: {  	s16 =	sand.u32 $0x200, s16;
	s17 =	sadd.s32 $0x10, s15;
	s15 =	sor.u32 $0x400, s14  }
0x32: {  	s14 =	sor.u32 $0x400, s16;
	s16 =	sadd.s32 $0x10, s15;
	v0 =	vld.msk [tilespmem:s17+$0x0 ss:$0x1], $0xffff;
	vm1 =	vgt.s32 v2, $0x0;
	(ifvalue) =	ssetifvalue $0x7FFFFFFF  }
.LBB2_3:
0x33: {  	[tilespmem:s15], [sflag:$0x1] =	stream.indirect_vreg.gather [hbm4b:s3+s10], $0x1, v1, vm0, $0x4038;
	[tilespmem:$0x800] =	vst v63  }
0x34: {  	s18 =	sadd.s32 $0x10, s18  }
0x35: {  	v2 =	vnsel vm1, $0x0, v2;
	p1 =	slt.u32 s18, $0x1F0  }
.Ltmp3:
0x36: {  	s15 =	smov.u32 s16;
	v1 =	vmin.u32 v2, $0x3FFF;
	(pc) =	sbr.rel @p1 .LBB2_3-.Ltmp3, $3  }
0x37: {  	_ =	sdelay $0x1  }
0x38: {  	s17 =	sadd.s32 $0x10, s17  }
0x39: {  	vm1 =	vgt.s32 v0, $0x0;
	s16 =	sadd.s32 $0x10, s16;
	v2 =	vmov v0;
	(ifvalue) =	ssetifvalue $0x7FFFFFFF;
	v0 =	vld.msk [tilespmem:s17+$0x0 ss:$0x1], $0xffff  }
.Ltmp4:
0x3a: {  	_ = 	snop;
	(pc) =	sbr.rel .LBB2_4-.Ltmp4, $1  }
0x3b: {  	_ =	sdelay $0x3  }
.LBB2_6:
0x3c: {  	_ =	sfence.sel $0x180000  }
0x3d: {  	s2 =	simm.s32 $0x2;
	[bflag:$0x0] =	sbarrier.arrive $0xFFFF  }
0x3e: {  	s30 =	simm.s32 $0x3;
	[sflag:s2] =	ssyncpa.u1 $0x1  }
0x3f: {  	s31 =	simm.s32 $0x1;
	[sflag:s30] =	ssyncpa.u1 $0x1  }
0x40: {  	[sflag:s31] =	ssyncpa.u1 $0x1  }
0x41: {  	p0 =	sne.s32 s1, $0x0;
	_ =	strace $0x90000053  }
0x42: {  	s0 =	sadd.s32 @!p0 $0x100000, s0;
	[bflag:$0x2] =	sbarrier.arrive $0xFFFF  }
0x43: {  	[sflag:s0] =	ssyncadd.tile.s32 @!p0 $0x1;
	_ =	shalt  }
.Lfunc_end2:
_tile_overlayer_lowered:
.L_overlay_start_2:
0x44: {  	(tag) =	ssettag $0x2  }
0x45: {  	s0 =	rddreg [dreg:$0x0];
	s2 =	stileid.u32  }
0x46: {  	s1 =	rddreg [dreg:$0x1];
	p0 =	sne.s32 s2, $0x0  }
0x47: {  	s3 =	rddreg [dreg:$0x2];
	[bflag:$0x3] =	sbarrier.arrive $0xFFFF;
	s2 =	simm.s32 @!p0 $0x1C01  }
0x48: {  	[timem:s3], [sflag:s2] =	dma.local @!p0 [hbm:s0], s1  }
0x49: {  	s0 =	simm.s32 @!p0 $0x1  }
0x4a: {  	_ =	swait.ge @!p0 [sflag:s0], s1  }
0x4b: {  	s1 =	ssub.s32 @!p0 $0x0, s1;
	[sflag:s0] =	ssyncset.done @!p0 $0x0  }
0x4c: {  	[sflag:s0] =	ssyncadd.s32 @!p0 s1  }
0x4d: {  	[bflag:$0x3] =	sbarrier.arrive $0xFFFF  }
0x4e: {  	_ =	shalt  }

// kernel: gather_offload_async_start.3
scs
__scs_entry_jumppad:
0x0: {  	(pc) =	sbr.rel $0x88, $3  }
0x1: {  	(tag) =	ssettag $0x0;
	lr =	simm.s32 $0x1  }
0x2: {  	[smem:$0x3F9B] =	sst lr;
	_ =	strace $0xD0000000  }
0x3: {  	_ = 	snop  }
0x4: {  	_ = 	snop  }
0x5: {  	_ = 	snop  }
0x6: {  	_ = 	snop  }
0x7: {  	_ = 	snop  }
__scs_overlays_trampoline_lowered:
0x8: {  	[smem:$0x3FAA] =	sst s0  }
0x9: {  	[smem:$0x3FAB] =	sst s1  }
0xa: {  	[smem:$0x3FAC] =	sst s2  }
0xb: {  	[smem:$0x3FAD] =	sst s3  }
0xc: {  	[smem:$0x3FAE] =	sst s4  }
0xd: {  	[smem:$0x3FAF] =	sst s5  }
0xe: {  	[smem:$0x3FB0] =	sst s6  }
0xf: {  	[smem:$0x3FB1] =	sst s7  }
0x10: {  	[smem:$0x3FB2] =	sst s8  }
0x11: {  	[smem:$0x3FB3] =	sst s9;
	s0 =	simm.s32 @!p0 $0x0  }
0x12: {  	s1 =	sld [smem:$0x3F99];
	s0 =	simm.s32 @p0 $0x1  }
0x13: {  	[smem:$0x3FB4] =	sst s0;
	s0 =	simm.s32 @!p1 $0x0  }
0x14: {  	s2 =	sld [smem:$0x3F98];
	s0 =	simm.s32 @p1 $0x1  }
0x15: {  	[smem:$0x3FB5] =	sst s0;
	s0 =	simm.s32 @!p2 $0x0  }
0x16: {  	s3 =	sld [smem:$0x3FDB];
	s0 =	simm.s32 @p2 $0x1  }
0x17: {  	s4 =	simm.s32 $0x1BF5;
	[smem:$0x3FB7] =	sst s0  }
0x18: {  	s0 =	sld [smem:$0x3F9A];
	_ =	swait.ge [sflag:s4], $0x0  }
0x19: {  	s7 =	sld [smem:$0x3F9B]  }
0x1a: {  	s8 =	sadd.s32 $0xFFFFE003, lr  }
0x1b: {  	s9 =	sadd.s32 $0xFFFFFEF7, lr;
	s5 =	simm.s32 $0xFFFFFFFF;
	p2 =	slt.u32 s8, $0xFFFFF086  }
0x1c: {  	p1 =	slt.u32 s9, $0xF7A;
	s5 =	simm.s32 @!p2 $0x0  }
0x1d: {  	s5 =	simm.s32 @p1 $0x1;
	p0 =	seq.s32 s7, s2  }
0x1e: {  	s7 =	smul.u32 @!p0 $0xF7A, s2;
	p2 =	seq.s32 @!p0 s5, $0x0  }
0x1f: {  	s9 =	smul.u32 $0xF7A, s1;
	s8 =	simm.s32 @!p0 $0x1BF5;
	p2 =	por !p2, p0  }
0x20: {  	[sflag:s8] =	ssyncset.s32 @!p0 $0xFFFFF086;
	s6 =	sadd.s32 @!p0 s3, s7;
	s7 =	simm.s32 @!p0 $0x108  }
0x21: {  	s3 =	sadd.s32 s3, s9;
	s6 =	sadd.s32 @!p0 $0x88, s6;
	s7 =	simm.s32 @p2 $0x1082  }
0x22: {  	[simem:s7], [sflag:s8] =	dma.local @!p0 [hbm:s6], $0xF7A  }
0x23: {  	s9 =	sor.u32 $0xD0000000, s2;
	s6 =	simm.s32 $0x108;
	_ =	swait.ge @!p0 [sflag:s8], $0x0  }
0x24: {  	s3 =	sadd.s32 $0x88, s3;
	s6 =	simm.s32 @!p1 $0x1082;
	[sflag:s4] =	ssyncset.s32 $0xFFFFF086  }
0x25: {  	[simem:s6], [sflag:s4] =	dma.local [hbm:s3], $0xF7A  }
0x26: {  	[smem:$0x3F9B] =	sst s1;
	(tag) =	ssettag s2;
	_ =	strace s9  }
0x27: {  	s1 =	sld [smem:$0x3FAB]  }
0x28: {  	s2 =	sld [smem:$0x3FAC]  }
0x29: {  	s4 =	sld [smem:$0x3FAE]  }
0x2a: {  	p0 =	seq.s32 s5, $0x0;
	s5 =	sld [smem:$0x3FAF]  }
0x2b: {  	s6 =	sld [smem:$0x3FB0]  }
0x2c: {  	s7 =	sld [smem:$0x3FB1]  }
0x2d: {  	s3 =	simm.s32 $0x108;
	s8 =	sld [smem:$0x3FB2]  }
0x2e: {  	s3 =	simm.s32 @!p0 $0x1082;
	s9 =	sld [smem:$0x3FB3]  }
0x2f: {  	lr =	sadd.s32 s0, s3;
	s0 =	sld [smem:$0x3FAA]  }
0x30: {  	s3 =	sld [smem:$0x3FAD]  }
0x31: {  	[smem:$0x3FB6] =	sst s10  }
0x32: {  	s10 =	sld [smem:$0x3FB4];
	_ =	sdelay $0x3  }
0x33: {  	p0 =	seq.s32 s10, $0x1;
	s10 =	sld [smem:$0x3FB6];
	_ =	sdelay $0x3  }
0x34: {  	[smem:$0x3FB6] =	sst s10  }
0x35: {  	s10 =	sld [smem:$0x3FB5];
	_ =	sdelay $0x3  }
0x36: {  	p1 =	seq.s32 s10, $0x1;
	s10 =	sld [smem:$0x3FB6];
	_ =	sdelay $0x3  }
0x37: {  	[smem:$0x3FB6] =	sst s10  }
0x38: {  	s10 =	sld [smem:$0x3FB7]  }
0x39: {  	_ = 	snop;
	(pc) =	sbr.ind lr, $3  }
0x3a: {  	_ = 	snop  }
0x3b: {  	_ = 	snop  }
0x3c: {  	p2 =	seq.s32 s10, $0x1;
	s10 =	sld [smem:$0x3FB6]  }
0x3d: {  	_ =	shalt  }
0x3e: {  	_ =	shalt  }
0x3f: {  	_ =	shalt  }
0x40: {  	_ =	shalt  }
0x41: {  	_ =	shalt  }
0x42: {  	_ =	shalt  }
0x43: {  	_ =	shalt  }
0x44: {  	_ =	shalt  }
0x45: {  	_ =	shalt  }
0x46: {  	_ =	shalt  }
0x47: {  	_ =	shalt  }
0x48: {  	_ =	shalt  }
0x49: {  	_ =	shalt  }
0x4a: {  	_ =	shalt  }
0x4b: {  	_ =	shalt  }
0x4c: {  	_ =	shalt  }
0x4d: {  	_ =	shalt  }
0x4e: {  	_ =	shalt  }
0x4f: {  	_ =	shalt  }
0x50: {  	_ =	shalt  }
0x51: {  	_ =	shalt  }
0x52: {  	_ =	shalt  }
0x53: {  	_ =	shalt  }
0x54: {  	_ =	shalt  }
0x55: {  	_ =	shalt  }
0x56: {  	_ =	shalt  }
0x57: {  	_ =	shalt  }
0x58: {  	_ =	shalt  }
0x59: {  	_ =	shalt  }
0x5a: {  	_ =	shalt  }
0x5b: {  	_ =	shalt  }
0x5c: {  	_ =	shalt  }
0x5d: {  	_ =	shalt  }
0x5e: {  	_ =	shalt  }
0x5f: {  	_ =	shalt  }
0x60: {  	_ =	shalt  }
0x61: {  	_ =	shalt  }
0x62: {  	_ =	shalt  }
0x63: {  	_ =	shalt  }
0x64: {  	_ =	shalt  }
0x65: {  	_ =	shalt  }
0x66: {  	_ =	shalt  }
0x67: {  	_ =	shalt  }
0x68: {  	_ =	shalt  }
0x69: {  	_ =	shalt  }
0x6a: {  	_ =	shalt  }
0x6b: {  	_ =	shalt  }
0x6c: {  	_ =	shalt  }
0x6d: {  	_ =	shalt  }
0x6e: {  	_ =	shalt  }
0x6f: {  	_ =	shalt  }
0x70: {  	_ =	shalt  }
0x71: {  	_ =	shalt  }
0x72: {  	_ =	shalt  }
0x73: {  	_ =	shalt  }
0x74: {  	_ =	shalt  }
0x75: {  	_ =	shalt  }
0x76: {  	_ =	shalt  }
0x77: {  	_ =	shalt  }
0x78: {  	_ =	shalt  }
0x79: {  	_ =	shalt  }
0x7a: {  	_ =	shalt  }
0x7b: {  	_ =	shalt  }
0x7c: {  	_ =	shalt  }
0x7d: {  	_ =	shalt  }
0x7e: {  	_ =	shalt  }
0x7f: {  	_ =	shalt  }
0x80: {  	_ =	shalt  }
0x81: {  	_ =	shalt  }
0x82: {  	_ =	shalt  }
0x83: {  	_ =	shalt  }
0x84: {  	_ =	shalt  }
0x85: {  	_ =	shalt  }
0x86: {  	_ =	shalt  }
0x87: {  	_ =	shalt  }
.Lfunc_end0:
.L_simem_size_0:
called_computation.4_lowered:
.L_overlay_start_0:
0x88: {  	s2 =	sld [smem:$0x3FD9]  }
0x89: {  	s3 =	sld [smem:$0x3FFE];
	_ =	sdelay $0x1  }
0x8a: {  	s1 =	srdreg.scid  }
0x8b: {  	s0 =	sand.u32 $0x1, s1  }
0x8c: {  	s17 =	sshll.u32 s0, $0xA;
	s2 =	sadd.s32 s3, s2  }
0x8d: {  	s2 =	sadd.s32 s2, s17  }
0x8e: {  	[smem:$0x3FC2] =	sst s2  }
0x8f: {  	_ = 	snop  }
0x90: {  	(tm) =	ssettm $0x1  }
0x91: {  	s18 =	sld [smem:$0x3FFB];
	_ =	sdelay $0x3  }
0x92: {  	_ =	strace s18  }
0x93: {  	s2 =	sld [smem:$0x3FFC];
	_ =	sdelay $0x3  }
0x94: {  	_ =	strace s2  }
0x95: {  	s2 =	sld [smem:$0x3FFD];
	_ =	sdelay $0x3  }
0x96: {  	_ =	strace s2  }
0x97: {  	_ =	strace $0x8FFFFFFF  }
0x98: {  	s19 =	sld [smem:$0x3FDB];
	_ =	sdelay $0x1  }
0x99: {  	s20 =	simm.s32 $_scs_section_size  }
0x9a: {  	s4 =	simm.s32 $_size__tile_overlayer_lowered;
	s5 =	simm.s32 $_tile_overlayer_lowered  }
0x9b: {  	s6 =	simm.s32 $0x1BFF;
	s21 =	sshll.u32 s5, $0x1;
	s3 =	sadd.s32 s20, s19  }
0x9c: {  	s22 =	simm.s32 $0x0;
	s4 =	sshll.u32 s4, $0x1;
	s5 =	sadd.s32 s21, s3  }
0x9d: {  	[timem:s22], [sflag:s6] =	dma.local [hbm:s5], s4  }
0x9e: {  	_ =	swait.ge [sflag:s6], s4  }
0x9f: {  	s4 =	ssub.s32 $0x0, s4;
	[sflag:s6] =	ssyncset.done $0x0  }
0xa0: {  	[sflag:s6] =	ssyncadd.s32 s4;
	_ =	sdelay $0x1  }
0xa1: {  	s23 =	simm.s32 $0x1B8B  }
0xa2: {  	_ =	swait.ge [sflag:s23], $0x1  }
0xa3: {  	[sflag:s23] =	ssyncset.done $0x0  }
0xa4: {  	[sflag:s23] =	ssyncadd.s32 $0xFFFFFFFF  }
0xa5: {  	s4 =	sld [smem:$0x0]  }
0xa6: {  	s5 =	sand.u32 $0xFFFFFFFE, s1  }
0xa7: {  	p0 =	sne.s32 s1, s5  }
0xa8: {  	s5 =	sshll.u32 @p0 s5, $0xE  }
0xa9: {  	s5 =	sadd.s32 @p0 $0x11B8D, s5;
	s6 =	sshll.u32 @p0 s4, $0x11  }
0xaa: {  	s5 =	sor.u32 @p0 s6, s5  }
0xab: {  	[sflag:s5] =	ssyncadd.remote.s32 @p0 $0x1;
	_ =	sdelay $0x1  }
0xac: {  	s5 =	simm.s32 @p0 $0x1B8D  }
0xad: {  	_ =	swait.eq @p0 [sflag:s5], $0x1  }
0xae: {  	[sflag:s5] =	ssyncadd.s32 @p0 $0xFFFFFFFF  }
0xaf: {  	s6 =	sshll.u32 @!p0 s1, $0xE  }
0xb0: {  	s6 =	sor.u32 @!p0 $0x4000, s6;
	s5 =	simm.s32 @!p0 $0x1B8D  }
0xb1: {  	s4 =	sshll.u32 @!p0 s4, $0x11;
	s6 =	sadd.s32 @!p0 $0x11B8D, s6;
	_ =	swait.eq @!p0 [sflag:s5], $0x1  }
0xb2: {  	s4 =	sor.u32 @!p0 s4, s6;
	[sflag:s5] =	ssyncadd.s32 @!p0 $0xFFFFFFFF  }
0xb3: {  	s25 =	simm.s32 $0x1B8E;
	s24 =	sld [smem:$0x3FFE];
	[sflag:s4] =	ssyncadd.remote.s32 @!p0 $0x1  }
0xb4: {  	s26 =	simm.s32 $execute0_lowered;
	[smem:$0x3FD2] =	sst s25  }
0xb5: {  	s5 =	sshll.u32 s26, $0x1;
	_ =	strace $0x8000004F;
	[dreg:$0x1] =	wrdreg $0xFFFFFFFF  }
0xb6: {  	s28 =	simm.s32 $_size_execute0_lowered;
	s3 =	sadd.s32 s3, s5;
	[dreg:$0x0] =	wrdreg $0x0  }
0xb7: {  	s5 =	sshll.u32 s28, $0x1;
	[dreg:$0x2] =	wrdreg s3  }
0xb8: {  	[dreg:$0x3] =	wrdreg s5  }
0xb9: {  	[dreg:$0x4] =	wrdreg $0xC0  }
0xba: {  	_ =	task [dreg:s22], $0x5FFFF  }
0xbb: {  	[dreg:$0x1] =	wrdreg $0xFFFFFFFF  }
0xbc: {  	[dreg:$0x0] =	wrdreg $0x60  }
0xbd: {  	[dreg:$0x2] =	wrdreg s24  }
0xbe: {  	[dreg:$0x3] =	wrdreg $0xA  }
0xbf: {  	_ =	task.clear_ibuf [dreg:s22], $0x4FFFF;
	_ =	strace $0x9000004F  }
0xc0: {  	s29 =	simm.s32 $0xA;
	_ =	strace $0x80000051  }
0xc1: {  	_ =	swait.ge [sflag:s29], $0x1  }
0xc2: {  	[sflag:s29] =	ssyncadd.s32 $0xFFFFFFFF  }
0xc3: {  	_ =	strace $0x90000051  }
0xc4: {  	_ =	sfence  }
0xc5: {  	s30 =	sld [smem:$0x0];
	_ =	sdelay $0x2  }
0xc6: {  	s31 =	sshll.u32 s1, $0xD;
	s1 =	sshrl.u32 s1, $0x2  }
0xc7: {  	s4 =	sand.u32 $0x4000, s31;
	s1 =	sadd.s32 s1, s30  }
0xc8: {  	s0 =	sor.u32 s4, s0;
	s1 =	sshll.u32 s1, $0x11  }
0xc9: {  	s0 =	sor.u32 s1, s0  }
0xca: {  	s0 =	sadd.s32 $0x8F2B, s0  }
0xcb: {  	[sflag:s0] =	ssyncadd.remote.s32 $0x1  }
0xcc: {  	_ =	sfence.sel $0xFFFF  }
0xcd: {  	[dreg:$0x0] =	wrdreg $0xFFFFFFFF;
	(pc) =	sbr.abs _section_cstart, $3  }
0xce: {  	[dreg:$0x1] =	wrdreg $0xFFFFFFFF  }
0xcf: {  	_ =	task.clear_ibuf [dreg:s22], $0x2FFFF;
	_ =	strace $0x9FFFFFFF  }
0xd0: {  	(tm) =	ssettm $0x7FFFFFFF  }
0xd1: {  	_ =	shalt  }
tec
execute0_lowered:
.L_overlay_start_1:
0x0: {  	(tag) =	ssettag $0x1  }
0x1: {  	s0 =	srdreg.scid;
	s5 =	rddreg [dreg:$0x0]  }
0x2: {  	s1 =	stileid.u32;
	s6 =	simm.s32 $0x1;
	s9 =	simm.s32 $0x1  }
0x3: {  	s10 =	simm.s32 $0x3;
	s13 =	simm.s32 $0x0;
	s2 =	sshll.u32 s0, $0x9  }
0x4: {  	s12 =	simm.s32 $0x0;
	s3 =	sshll.u32 s1, $0xA;
	s2 =	sand.u32 $0x200, s2  }
0x5: {  	s0 =	rddreg [dreg:$0x1];
	_ =	strace $0x80000050;
	s2 =	sor.u32 s3, s2  }
0x6: {  	s4 =	sadd.s32 $0x4C00, s5;
	[sflag:s6] =	ssyncpa.u1 $0x0;
	s8 =	ssub.s32 $0x6000, s2  }
.Ltmp0:
0x7: {  	s3 =	sadd.s32 $0x5800, s5;
	s7 =	sand.u32 $0x3E00, s8;
	(pc) =	sbr.rel .LBB2_1-.Ltmp0, $4  }
0x8: {  	s5 =	sadd.s32 $0x6800, s5;
	s11 =	smov.u32 s2;
	p0 =	sne.s32 s7, $0x0  }
0x9: {  	s8 =	sshrl.u32 s8, $0xE;
	s7 =	simm.s32 $0x2;
	s9 =	simm.s32 @!p0 $0x0  }
0xa: {  	[sflag:s7] =	ssyncpa.u1 $0x0;
	p0 =	por $0x0, $0x0;
	s8 =	sadd.s32 s9, s8  }
0xb: {  	vm0 =	vmmov $0xffff;
	[sflag:s10] =	ssyncpa.u1 $0x0;
	s10 =	simm.s32 $0x0;
	s9 =	sadd.s32 $0x1, s8  }
.LBB2_4:
0xc: {  	v2 =	vnsel vm1, $0x0, v2  }
0xd: {  	vm1 =	vgt.s32 v0, $0x0;
	v2 =	vmin.u32 v2, $0x3FFF  }
0xe: {  	v0 =	vnsel vm1, $0x0, v0  }
0xf: {  	v0 =	vmin.u32 v0, $0x3FFF  }
0x10: {  	[tilespmem:s15], [sflag:$0x1] =	stream.indirect_vreg.gather [hbm4b:s3+s10], $0x1, v1, vm0, $0x4038;
	[tilespmem:$0x800] =	vst v63  }
0x11: {  	(ifvalue) =	ssetifvalue $0x7FFFFFFF  }
0x12: {  	[tilespmem:s16], [sflag:$0x1] =	stream.indirect_vreg.gather [hbm4b:s3+s10], $0x1, v2, vm0, $0x4038;
	[tilespmem:$0x800] =	vst v63  }
0x13: {  	s29 =	sadd.s32 $0x10, s16;
	(ifvalue) =	ssetifvalue $0x7FFFFFFF  }
0x14: {  	[tilespmem:s29], [sflag:$0x1] =	stream.indirect_vreg.gather [hbm4b:s3+s10], $0x1, v0, vm0, $0x4038;
	[tilespmem:$0x800] =	vst v63  }
0x15: {  	_ =	swait.ge [sflag:s6], $0x200  }
0x16: {  	s30 =	sshrl.u32 s13, $0x3;
	[sflag:s6] =	ssyncset.done $0x0  }
0x17: {  	s31 =	sand.u32 $0x7, s13;
	s15 =	sadd.s32 s5, s30;
	[sflag:s6] =	ssyncadd.s32 $0xFFFFFE00  }
0x18: {  	[hbm4b:s15+s31] =	stream.linear.scatter [tilespmem:s14], [sflag:$0x3], $0x200, $0x38;
	[tilespmem:$0x800] =	vst v63  }
.LBB2_5:
0x19: {  	s15 =	sadd.s32 $0x4000, s11  }
0x1a: {  	p2 =	sgt.s32 s15, $0x5FFF  }
0x1b: {  	s15 =	smov.u32 @p2 s2;
	p2 =	sne.s32 s12, s9  }
.Ltmp1:
0x1c: {  	p1 =	slt.u32 s12, $0x2;
	(pc) =	sbr.rel @!p2 .LBB2_6-.Ltmp1, $4  }
0x1d: {  	s14 =	simm.s32 @!p1 $0x3  }
0x1e: {  	s16 =	sadd.s32 $0x1, s12;
	_ =	swait.ge @!p1 [sflag:s14], $0x200  }
0x1f: {  	s13 =	smov.u32 s11;
	p0 =	por !p0, !p0;
	[sflag:s14] =	ssyncset.done @!p1 $0x0  }
0x20: {  	s12 =	smov.u32 s16;
	s11 =	smov.u32 s15;
	[sflag:s14] =	ssyncadd.s32 @!p1 $0xFFFFFE00  }
.LBB2_1:
0x21: {  	p1 =	sge.u32 s12, s8  }
0x22: {  	s14 =	sxor.u32 @!p1 $0xFFFFFFFF, s12  }
0x23: {  	s31 =	sadd.s32 $0xFFFFFFFF, s12;
	s15 =	sshrl.u32 @!p1 s11, $0x3;
	s14 =	sshll.u32 @!p1 s14, $0x9  }
0x24: {  	s16 =	sand.u32 @!p1 $0x7, s11;
	s15 =	sadd.s32 @!p1 s4, s15;
	s14 =	sand.u32 @!p1 $0x200, s14  }
0x25: {  	[tilespmem:s14], [sflag:$0x2] =	stream.linear.gather @!p1 [hbm4b:s15+s16], $0x200, $0x38;
	[tilespmem:$0x800] =	vst v63  }
0x26: {  	p1 =	sge.u32 s31, s8  }
.Ltmp2:
0x27: {  	_ = 	snop;
	(pc) =	sbr.rel @p1 .LBB2_5-.Ltmp2, $1  }
0x28: {  	_ =	sdelay $0x3  }
0x29: {  	s14 =	simm.s32 $0x1  }
0x2a: {  	_ =	swait.ge [sflag:s7], $0x200;
	s14 =	simm.s32 @!p0 $0x0  }
0x2b: {  	[sflag:s7] =	ssyncset.done $0x0;
	s14 =	sshll.u32 s14, $0x9  }
0x2c: {  	[sflag:s7] =	ssyncadd.s32 $0xFFFFFE00;
	(ifvalue) =	ssetifvalue $0x7FFFFFFF;
	v0 =	vld.msk [tilespmem:s14+$0x0 ss:$0x1], $0xffff;
	_ =	sdelay $0x4  }
0x2d: {  	s15 =	sadd.s32 $0x10, s14;
	vm1 =	vgt.s32 v0, $0x0  }
0x2e: {  	v2 =	vld.msk [tilespmem:s15+$0x0 ss:$0x1], $0xffff;
	v1 =	vnsel vm1, $0x0, v0  }
0x2f: {  	v1 =	vmin.u32 v1, $0x3FFF;
	_ =	sdelay $0x1  }
0x30: {  	s16 =	sshll.u32 s12, $0x9;
	s18 =	simm.s32 $0x20  }
0x31: {  	s16 =	sand.u32 $0x200, s16;
	s17 =	sadd.s32 $0x10, s15;
	s15 =	sor.u32 $0x400, s14  }
0x32: {  	s14 =	sor.u32 $0x400, s16;
	s16 =	sadd.s32 $0x10, s15;
	v0 =	vld.msk [tilespmem:s17+$0x0 ss:$0x1], $0xffff;
	vm1 =	vgt.s32 v2, $0x0;
	(ifvalue) =	ssetifvalue $0x7FFFFFFF  }
.LBB2_3:
0x33: {  	[tilespmem:s15], [sflag:$0x1] =	stream.indirect_vreg.gather [hbm4b:s3+s10], $0x1, v1, vm0, $0x4038;
	[tilespmem:$0x800] =	vst v63  }
0x34: {  	s18 =	sadd.s32 $0x10, s18  }
0x35: {  	v2 =	vnsel vm1, $0x0, v2;
	p1 =	slt.u32 s18, $0x1F0  }
.Ltmp3:
0x36: {  	s15 =	smov.u32 s16;
	v1 =	vmin.u32 v2, $0x3FFF;
	(pc) =	sbr.rel @p1 .LBB2_3-.Ltmp3, $3  }
0x37: {  	_ =	sdelay $0x1  }
0x38: {  	s17 =	sadd.s32 $0x10, s17  }
0x39: {  	vm1 =	vgt.s32 v0, $0x0;
	s16 =	sadd.s32 $0x10, s16;
	v2 =	vmov v0;
	(ifvalue) =	ssetifvalue $0x7FFFFFFF;
	v0 =	vld.msk [tilespmem:s17+$0x0 ss:$0x1], $0xffff  }
.Ltmp4:
0x3a: {  	_ = 	snop;
	(pc) =	sbr.rel .LBB2_4-.Ltmp4, $1  }
0x3b: {  	_ =	sdelay $0x3  }
.LBB2_6:
0x3c: {  	_ =	sfence.sel $0x180000  }
0x3d: {  	s2 =	simm.s32 $0x2;
	[bflag:$0x0] =	sbarrier.arrive $0xFFFF  }
0x3e: {  	s30 =	simm.s32 $0x3;
	[sflag:s2] =	ssyncpa.u1 $0x1  }
0x3f: {  	s31 =	simm.s32 $0x1;
	[sflag:s30] =	ssyncpa.u1 $0x1  }
0x40: {  	[sflag:s31] =	ssyncpa.u1 $0x1  }
0x41: {  	p0 =	sne.s32 s1, $0x0;
	_ =	strace $0x90000050  }
0x42: {  	s0 =	sadd.s32 @!p0 $0x100000, s0;
	[bflag:$0x2] =	sbarrier.arrive $0xFFFF  }
0x43: {  	[sflag:s0] =	ssyncadd.tile.s32 @!p0 $0x1;
	_ =	shalt  }
.Lfunc_end2:
_tile_overlayer_lowered:
.L_overlay_start_2:
0x44: {  	(tag) =	ssettag $0x2  }
0x45: {  	s0 =	rddreg [dreg:$0x0];
	s2 =	stileid.u32  }
0x46: {  	s1 =	rddreg [dreg:$0x1];
	p0 =	sne.s32 s2, $0x0  }
0x47: {  	s3 =	rddreg [dreg:$0x2];
	[bflag:$0x3] =	sbarrier.arrive $0xFFFF;
	s2 =	simm.s32 @!p0 $0x1C01  }
0x48: {  	[timem:s3], [sflag:s2] =	dma.local @!p0 [hbm:s0], s1  }
0x49: {  	s0 =	simm.s32 @!p0 $0x1  }
0x4a: {  	_ =	swait.ge @!p0 [sflag:s0], s1  }
0x4b: {  	s1 =	ssub.s32 @!p0 $0x0, s1;
	[sflag:s0] =	ssyncset.done @!p0 $0x0  }
0x4c: {  	[sflag:s0] =	ssyncadd.s32 @!p0 s1  }
0x4d: {  	[bflag:$0x3] =	sbarrier.arrive $0xFFFF  }
0x4e: {  	_ =	shalt  }

// kernel: gather_offload_async_start
scs
__scs_entry_jumppad:
0x0: {  	(pc) =	sbr.rel $0x88, $3  }
0x1: {  	(tag) =	ssettag $0x0;
	lr =	simm.s32 $0x1  }
0x2: {  	[smem:$0x3F9B] =	sst lr;
	_ =	strace $0xD0000000  }
0x3: {  	_ = 	snop  }
0x4: {  	_ = 	snop  }
0x5: {  	_ = 	snop  }
0x6: {  	_ = 	snop  }
0x7: {  	_ = 	snop  }
__scs_overlays_trampoline_lowered:
0x8: {  	[smem:$0x3FAA] =	sst s0  }
0x9: {  	[smem:$0x3FAB] =	sst s1  }
0xa: {  	[smem:$0x3FAC] =	sst s2  }
0xb: {  	[smem:$0x3FAD] =	sst s3  }
0xc: {  	[smem:$0x3FAE] =	sst s4  }
0xd: {  	[smem:$0x3FAF] =	sst s5  }
0xe: {  	[smem:$0x3FB0] =	sst s6  }
0xf: {  	[smem:$0x3FB1] =	sst s7  }
0x10: {  	[smem:$0x3FB2] =	sst s8  }
0x11: {  	[smem:$0x3FB3] =	sst s9;
	s0 =	simm.s32 @!p0 $0x0  }
0x12: {  	s1 =	sld [smem:$0x3F99];
	s0 =	simm.s32 @p0 $0x1  }
0x13: {  	[smem:$0x3FB4] =	sst s0;
	s0 =	simm.s32 @!p1 $0x0  }
0x14: {  	s2 =	sld [smem:$0x3F98];
	s0 =	simm.s32 @p1 $0x1  }
0x15: {  	[smem:$0x3FB5] =	sst s0;
	s0 =	simm.s32 @!p2 $0x0  }
0x16: {  	s3 =	sld [smem:$0x3FDB];
	s0 =	simm.s32 @p2 $0x1  }
0x17: {  	s4 =	simm.s32 $0x1BF5;
	[smem:$0x3FB7] =	sst s0  }
0x18: {  	s0 =	sld [smem:$0x3F9A];
	_ =	swait.ge [sflag:s4], $0x0  }
0x19: {  	s7 =	sld [smem:$0x3F9B]  }
0x1a: {  	s8 =	sadd.s32 $0xFFFFE003, lr  }
0x1b: {  	s9 =	sadd.s32 $0xFFFFFEF7, lr;
	s5 =	simm.s32 $0xFFFFFFFF;
	p2 =	slt.u32 s8, $0xFFFFF086  }
0x1c: {  	p1 =	slt.u32 s9, $0xF7A;
	s5 =	simm.s32 @!p2 $0x0  }
0x1d: {  	s5 =	simm.s32 @p1 $0x1;
	p0 =	seq.s32 s7, s2  }
0x1e: {  	s7 =	smul.u32 @!p0 $0xF7A, s2;
	p2 =	seq.s32 @!p0 s5, $0x0  }
0x1f: {  	s9 =	smul.u32 $0xF7A, s1;
	s8 =	simm.s32 @!p0 $0x1BF5;
	p2 =	por !p2, p0  }
0x20: {  	[sflag:s8] =	ssyncset.s32 @!p0 $0xFFFFF086;
	s6 =	sadd.s32 @!p0 s3, s7;
	s7 =	simm.s32 @!p0 $0x108  }
0x21: {  	s3 =	sadd.s32 s3, s9;
	s6 =	sadd.s32 @!p0 $0x88, s6;
	s7 =	simm.s32 @p2 $0x1082  }
0x22: {  	[simem:s7], [sflag:s8] =	dma.local @!p0 [hbm:s6], $0xF7A  }
0x23: {  	s9 =	sor.u32 $0xD0000000, s2;
	s6 =	simm.s32 $0x108;
	_ =	swait.ge @!p0 [sflag:s8], $0x0  }
0x24: {  	s3 =	sadd.s32 $0x88, s3;
	s6 =	simm.s32 @!p1 $0x1082;
	[sflag:s4] =	ssyncset.s32 $0xFFFFF086  }
0x25: {  	[simem:s6], [sflag:s4] =	dma.local [hbm:s3], $0xF7A  }
0x26: {  	[smem:$0x3F9B] =	sst s1;
	(tag) =	ssettag s2;
	_ =	strace s9  }
0x27: {  	s1 =	sld [smem:$0x3FAB]  }
0x28: {  	s2 =	sld [smem:$0x3FAC]  }
0x29: {  	s4 =	sld [smem:$0x3FAE]  }
0x2a: {  	p0 =	seq.s32 s5, $0x0;
	s5 =	sld [smem:$0x3FAF]  }
0x2b: {  	s6 =	sld [smem:$0x3FB0]  }
0x2c: {  	s7 =	sld [smem:$0x3FB1]  }
0x2d: {  	s3 =	simm.s32 $0x108;
	s8 =	sld [smem:$0x3FB2]  }
0x2e: {  	s3 =	simm.s32 @!p0 $0x1082;
	s9 =	sld [smem:$0x3FB3]  }
0x2f: {  	lr =	sadd.s32 s0, s3;
	s0 =	sld [smem:$0x3FAA]  }
0x30: {  	s3 =	sld [smem:$0x3FAD]  }
0x31: {  	[smem:$0x3FB6] =	sst s10  }
0x32: {  	s10 =	sld [smem:$0x3FB4];
	_ =	sdelay $0x3  }
0x33: {  	p0 =	seq.s32 s10, $0x1;
	s10 =	sld [smem:$0x3FB6];
	_ =	sdelay $0x3  }
0x34: {  	[smem:$0x3FB6] =	sst s10  }
0x35: {  	s10 =	sld [smem:$0x3FB5];
	_ =	sdelay $0x3  }
0x36: {  	p1 =	seq.s32 s10, $0x1;
	s10 =	sld [smem:$0x3FB6];
	_ =	sdelay $0x3  }
0x37: {  	[smem:$0x3FB6] =	sst s10  }
0x38: {  	s10 =	sld [smem:$0x3FB7]  }
0x39: {  	_ = 	snop;
	(pc) =	sbr.ind lr, $3  }
0x3a: {  	_ = 	snop  }
0x3b: {  	_ = 	snop  }
0x3c: {  	p2 =	seq.s32 s10, $0x1;
	s10 =	sld [smem:$0x3FB6]  }
0x3d: {  	_ =	shalt  }
0x3e: {  	_ =	shalt  }
0x3f: {  	_ =	shalt  }
0x40: {  	_ =	shalt  }
0x41: {  	_ =	shalt  }
0x42: {  	_ =	shalt  }
0x43: {  	_ =	shalt  }
0x44: {  	_ =	shalt  }
0x45: {  	_ =	shalt  }
0x46: {  	_ =	shalt  }
0x47: {  	_ =	shalt  }
0x48: {  	_ =	shalt  }
0x49: {  	_ =	shalt  }
0x4a: {  	_ =	shalt  }
0x4b: {  	_ =	shalt  }
0x4c: {  	_ =	shalt  }
0x4d: {  	_ =	shalt  }
0x4e: {  	_ =	shalt  }
0x4f: {  	_ =	shalt  }
0x50: {  	_ =	shalt  }
0x51: {  	_ =	shalt  }
0x52: {  	_ =	shalt  }
0x53: {  	_ =	shalt  }
0x54: {  	_ =	shalt  }
0x55: {  	_ =	shalt  }
0x56: {  	_ =	shalt  }
0x57: {  	_ =	shalt  }
0x58: {  	_ =	shalt  }
0x59: {  	_ =	shalt  }
0x5a: {  	_ =	shalt  }
0x5b: {  	_ =	shalt  }
0x5c: {  	_ =	shalt  }
0x5d: {  	_ =	shalt  }
0x5e: {  	_ =	shalt  }
0x5f: {  	_ =	shalt  }
0x60: {  	_ =	shalt  }
0x61: {  	_ =	shalt  }
0x62: {  	_ =	shalt  }
0x63: {  	_ =	shalt  }
0x64: {  	_ =	shalt  }
0x65: {  	_ =	shalt  }
0x66: {  	_ =	shalt  }
0x67: {  	_ =	shalt  }
0x68: {  	_ =	shalt  }
0x69: {  	_ =	shalt  }
0x6a: {  	_ =	shalt  }
0x6b: {  	_ =	shalt  }
0x6c: {  	_ =	shalt  }
0x6d: {  	_ =	shalt  }
0x6e: {  	_ =	shalt  }
0x6f: {  	_ =	shalt  }
0x70: {  	_ =	shalt  }
0x71: {  	_ =	shalt  }
0x72: {  	_ =	shalt  }
0x73: {  	_ =	shalt  }
0x74: {  	_ =	shalt  }
0x75: {  	_ =	shalt  }
0x76: {  	_ =	shalt  }
0x77: {  	_ =	shalt  }
0x78: {  	_ =	shalt  }
0x79: {  	_ =	shalt  }
0x7a: {  	_ =	shalt  }
0x7b: {  	_ =	shalt  }
0x7c: {  	_ =	shalt  }
0x7d: {  	_ =	shalt  }
0x7e: {  	_ =	shalt  }
0x7f: {  	_ =	shalt  }
0x80: {  	_ =	shalt  }
0x81: {  	_ =	shalt  }
0x82: {  	_ =	shalt  }
0x83: {  	_ =	shalt  }
0x84: {  	_ =	shalt  }
0x85: {  	_ =	shalt  }
0x86: {  	_ =	shalt  }
0x87: {  	_ =	shalt  }
.Lfunc_end0:
.L_simem_size_0:
called_computation.1_lowered:
.L_overlay_start_0:
0x88: {  	s2 =	sld [smem:$0x3FD9]  }
0x89: {  	s3 =	sld [smem:$0x3FFE];
	_ =	sdelay $0x1  }
0x8a: {  	s1 =	srdreg.scid  }
0x8b: {  	s0 =	sand.u32 $0x1, s1  }
0x8c: {  	s17 =	sshll.u32 s0, $0xA;
	s2 =	sadd.s32 s3, s2  }
0x8d: {  	s2 =	sadd.s32 s2, s17  }
0x8e: {  	[smem:$0x3FC2] =	sst s2  }
0x8f: {  	_ = 	snop  }
0x90: {  	(tm) =	ssettm $0x1  }
0x91: {  	s18 =	sld [smem:$0x3FFB];
	_ =	sdelay $0x3  }
0x92: {  	_ =	strace s18  }
0x93: {  	s2 =	sld [smem:$0x3FFC];
	_ =	sdelay $0x3  }
0x94: {  	_ =	strace s2  }
0x95: {  	s2 =	sld [smem:$0x3FFD];
	_ =	sdelay $0x3  }
0x96: {  	_ =	strace s2  }
0x97: {  	_ =	strace $0x8FFFFFFF  }
0x98: {  	s19 =	sld [smem:$0x3FDB];
	_ =	sdelay $0x1  }
0x99: {  	s20 =	simm.s32 $_scs_section_size  }
0x9a: {  	s4 =	simm.s32 $_size__tile_overlayer_lowered;
	s5 =	simm.s32 $_tile_overlayer_lowered  }
0x9b: {  	s6 =	simm.s32 $0x1BFF;
	s21 =	sshll.u32 s5, $0x1;
	s3 =	sadd.s32 s20, s19  }
0x9c: {  	s22 =	simm.s32 $0x0;
	s4 =	sshll.u32 s4, $0x1;
	s5 =	sadd.s32 s21, s3  }
0x9d: {  	[timem:s22], [sflag:s6] =	dma.local [hbm:s5], s4  }
0x9e: {  	_ =	swait.ge [sflag:s6], s4  }
0x9f: {  	s4 =	ssub.s32 $0x0, s4;
	[sflag:s6] =	ssyncset.done $0x0  }
0xa0: {  	[sflag:s6] =	ssyncadd.s32 s4;
	_ =	sdelay $0x1  }
0xa1: {  	s23 =	simm.s32 $0x1B8B  }
0xa2: {  	_ =	swait.ge [sflag:s23], $0x1  }
0xa3: {  	[sflag:s23] =	ssyncset.done $0x0  }
0xa4: {  	[sflag:s23] =	ssyncadd.s32 $0xFFFFFFFF  }
0xa5: {  	s4 =	sld [smem:$0x0]  }
0xa6: {  	s5 =	sand.u32 $0xFFFFFFFE, s1  }
0xa7: {  	p0 =	sne.s32 s1, s5  }
0xa8: {  	s5 =	sshll.u32 @p0 s5, $0xE  }
0xa9: {  	s5 =	sadd.s32 @p0 $0x11B8D, s5;
	s6 =	sshll.u32 @p0 s4, $0x11  }
0xaa: {  	s5 =	sor.u32 @p0 s6, s5  }
0xab: {  	[sflag:s5] =	ssyncadd.remote.s32 @p0 $0x1;
	_ =	sdelay $0x1  }
0xac: {  	s5 =	simm.s32 @p0 $0x1B8D  }
0xad: {  	_ =	swait.eq @p0 [sflag:s5], $0x1  }
0xae: {  	[sflag:s5] =	ssyncadd.s32 @p0 $0xFFFFFFFF  }
0xaf: {  	s6 =	sshll.u32 @!p0 s1, $0xE  }
0xb0: {  	s6 =	sor.u32 @!p0 $0x4000, s6;
	s5 =	simm.s32 @!p0 $0x1B8D  }
0xb1: {  	s4 =	sshll.u32 @!p0 s4, $0x11;
	s6 =	sadd.s32 @!p0 $0x11B8D, s6;
	_ =	swait.eq @!p0 [sflag:s5], $0x1  }
0xb2: {  	s4 =	sor.u32 @!p0 s4, s6;
	[sflag:s5] =	ssyncadd.s32 @!p0 $0xFFFFFFFF  }
0xb3: {  	s25 =	simm.s32 $0x1B8E;
	s24 =	sld [smem:$0x3FFE];
	[sflag:s4] =	ssyncadd.remote.s32 @!p0 $0x1  }
0xb4: {  	s26 =	simm.s32 $execute0_lowered;
	[smem:$0x3FD2] =	sst s25  }
0xb5: {  	s5 =	sshll.u32 s26, $0x1;
	_ =	strace $0x8000004C;
	[dreg:$0x1] =	wrdreg $0xFFFFFFFF  }
0xb6: {  	s28 =	simm.s32 $_size_execute0_lowered;
	s3 =	sadd.s32 s3, s5;
	[dreg:$0x0] =	wrdreg $0x0  }
0xb7: {  	s5 =	sshll.u32 s28, $0x1;
	[dreg:$0x2] =	wrdreg s3  }
0xb8: {  	[dreg:$0x3] =	wrdreg s5  }
0xb9: {  	[dreg:$0x4] =	wrdreg $0xC0  }
0xba: {  	_ =	task [dreg:s22], $0x5FFFF  }
0xbb: {  	[dreg:$0x1] =	wrdreg $0xFFFFFFFF  }
0xbc: {  	[dreg:$0x0] =	wrdreg $0x60  }
0xbd: {  	[dreg:$0x2] =	wrdreg s24  }
0xbe: {  	[dreg:$0x3] =	wrdreg $0x9  }
0xbf: {  	_ =	task.clear_ibuf [dreg:s22], $0x4FFFF;
	_ =	strace $0x9000004C  }
0xc0: {  	s29 =	simm.s32 $0x9;
	_ =	strace $0x8000004E  }
0xc1: {  	_ =	swait.ge [sflag:s29], $0x1  }
0xc2: {  	[sflag:s29] =	ssyncadd.s32 $0xFFFFFFFF  }
0xc3: {  	_ =	strace $0x9000004E  }
0xc4: {  	_ =	sfence  }
0xc5: {  	s30 =	sld [smem:$0x0];
	_ =	sdelay $0x2  }
0xc6: {  	s31 =	sshll.u32 s1, $0xD;
	s1 =	sshrl.u32 s1, $0x2  }
0xc7: {  	s4 =	sand.u32 $0x4000, s31;
	s1 =	sadd.s32 s1, s30  }
0xc8: {  	s0 =	sor.u32 s4, s0;
	s1 =	sshll.u32 s1, $0x11  }
0xc9: {  	s0 =	sor.u32 s1, s0  }
0xca: {  	s0 =	sadd.s32 $0x8F2B, s0  }
0xcb: {  	[sflag:s0] =	ssyncadd.remote.s32 $0x1  }
0xcc: {  	_ =	sfence.sel $0xFFFF  }
0xcd: {  	[dreg:$0x0] =	wrdreg $0xFFFFFFFF;
	(pc) =	sbr.abs _section_cstart, $3  }
0xce: {  	[dreg:$0x1] =	wrdreg $0xFFFFFFFF  }
0xcf: {  	_ =	task.clear_ibuf [dreg:s22], $0x2FFFF;
	_ =	strace $0x9FFFFFFF  }
0xd0: {  	(tm) =	ssettm $0x7FFFFFFF  }
0xd1: {  	_ =	shalt  }
tec
execute0_lowered:
.L_overlay_start_1:
0x0: {  	(tag) =	ssettag $0x1  }
0x1: {  	s0 =	srdreg.scid;
	s5 =	rddreg [dreg:$0x0]  }
0x2: {  	s1 =	stileid.u32;
	s6 =	simm.s32 $0x1;
	s9 =	simm.s32 $0x1  }
0x3: {  	s10 =	simm.s32 $0x3;
	s13 =	simm.s32 $0x0;
	s2 =	sshll.u32 s0, $0x8  }
0x4: {  	s12 =	simm.s32 $0x0;
	s3 =	sshll.u32 s1, $0x9;
	s2 =	sand.u32 $0x100, s2  }
0x5: {  	s0 =	rddreg [dreg:$0x1];
	_ =	strace $0x8000004D;
	s2 =	sor.u32 s3, s2  }
0x6: {  	s4 =	sadd.s32 $0x3800, s5;
	[sflag:s6] =	ssyncpa.u1 $0x0;
	s8 =	ssub.s32 $0x4000, s2  }
.Ltmp0:
0x7: {  	s3 =	sadd.s32 $0x3000, s5;
	s7 =	sand.u32 $0x1F00, s8;
	(pc) =	sbr.rel .LBB2_1-.Ltmp0, $4  }
0x8: {  	s5 =	sadd.s32 $0x6000, s5;
	s11 =	smov.u32 s2;
	p0 =	sne.s32 s7, $0x0  }
0x9: {  	s8 =	sshrl.u32 s8, $0xD;
	s7 =	simm.s32 $0x2;
	s9 =	simm.s32 @!p0 $0x0  }
0xa: {  	[sflag:s7] =	ssyncpa.u1 $0x0;
	p0 =	por $0x0, $0x0;
	s8 =	sadd.s32 s9, s8  }
0xb: {  	vm0 =	vmmov $0xffff;
	[sflag:s10] =	ssyncpa.u1 $0x0;
	s10 =	simm.s32 $0x0;
	s9 =	sadd.s32 $0x1, s8  }
.LBB2_4:
0xc: {  	v2 =	vnsel vm1, $0x0, v2  }
0xd: {  	vm1 =	vgt.s32 v0, $0x0;
	v2 =	vmin.u32 v2, $0x3FFF  }
0xe: {  	v0 =	vnsel vm1, $0x0, v0  }
0xf: {  	v0 =	vmin.u32 v0, $0x3FFF  }
0x10: {  	[tilespmem:s15], [sflag:$0x1] =	stream.indirect_vreg.gather [hbm4b:s3+s10], $0x1, v1, vm0, $0x4038;
	[tilespmem:$0x400] =	vst v63  }
0x11: {  	(ifvalue) =	ssetifvalue $0x7FFFFFFF  }
0x12: {  	[tilespmem:s16], [sflag:$0x1] =	stream.indirect_vreg.gather [hbm4b:s3+s10], $0x1, v2, vm0, $0x4038;
	[tilespmem:$0x400] =	vst v63  }
0x13: {  	s29 =	sadd.s32 $0x10, s16;
	(ifvalue) =	ssetifvalue $0x7FFFFFFF  }
0x14: {  	[tilespmem:s29], [sflag:$0x1] =	stream.indirect_vreg.gather [hbm4b:s3+s10], $0x1, v0, vm0, $0x4038;
	[tilespmem:$0x400] =	vst v63  }
0x15: {  	_ =	swait.ge [sflag:s6], $0x100  }
0x16: {  	s30 =	sshrl.u32 s13, $0x3;
	[sflag:s6] =	ssyncset.done $0x0  }
0x17: {  	s31 =	sand.u32 $0x7, s13;
	s15 =	sadd.s32 s5, s30;
	[sflag:s6] =	ssyncadd.s32 $0xFFFFFF00  }
0x18: {  	[hbm4b:s15+s31] =	stream.linear.scatter [tilespmem:s14], [sflag:$0x3], $0x100, $0x38;
	[tilespmem:$0x400] =	vst v63  }
.LBB2_5:
0x19: {  	s15 =	sadd.s32 $0x2000, s11  }
0x1a: {  	p2 =	sgt.s32 s15, $0x3FFF  }
0x1b: {  	s15 =	smov.u32 @p2 s2;
	p2 =	sne.s32 s12, s9  }
.Ltmp1:
0x1c: {  	p1 =	slt.u32 s12, $0x2;
	(pc) =	sbr.rel @!p2 .LBB2_6-.Ltmp1, $4  }
0x1d: {  	s14 =	simm.s32 @!p1 $0x3  }
0x1e: {  	s16 =	sadd.s32 $0x1, s12;
	_ =	swait.ge @!p1 [sflag:s14], $0x100  }
0x1f: {  	s13 =	smov.u32 s11;
	p0 =	por !p0, !p0;
	[sflag:s14] =	ssyncset.done @!p1 $0x0  }
0x20: {  	s12 =	smov.u32 s16;
	s11 =	smov.u32 s15;
	[sflag:s14] =	ssyncadd.s32 @!p1 $0xFFFFFF00  }
.LBB2_1:
0x21: {  	p1 =	sge.u32 s12, s8  }
0x22: {  	s14 =	sxor.u32 @!p1 $0xFFFFFFFF, s12  }
0x23: {  	s31 =	sadd.s32 $0xFFFFFFFF, s12;
	s15 =	sshrl.u32 @!p1 s11, $0x3;
	s14 =	sshll.u32 @!p1 s14, $0x8  }
0x24: {  	s16 =	sand.u32 @!p1 $0x7, s11;
	s15 =	sadd.s32 @!p1 s4, s15;
	s14 =	sand.u32 @!p1 $0x100, s14  }
0x25: {  	[tilespmem:s14], [sflag:$0x2] =	stream.linear.gather @!p1 [hbm4b:s15+s16], $0x100, $0x38;
	[tilespmem:$0x400] =	vst v63  }
0x26: {  	p1 =	sge.u32 s31, s8  }
.Ltmp2:
0x27: {  	_ = 	snop;
	(pc) =	sbr.rel @p1 .LBB2_5-.Ltmp2, $1  }
0x28: {  	_ =	sdelay $0x3  }
0x29: {  	s14 =	simm.s32 $0x1  }
0x2a: {  	_ =	swait.ge [sflag:s7], $0x100;
	s14 =	simm.s32 @!p0 $0x0  }
0x2b: {  	[sflag:s7] =	ssyncset.done $0x0;
	s14 =	sshll.u32 s14, $0x8  }
0x2c: {  	[sflag:s7] =	ssyncadd.s32 $0xFFFFFF00;
	(ifvalue) =	ssetifvalue $0x7FFFFFFF;
	v0 =	vld.msk [tilespmem:s14+$0x0 ss:$0x1], $0xffff;
	_ =	sdelay $0x4  }
0x2d: {  	s15 =	sadd.s32 $0x10, s14;
	vm1 =	vgt.s32 v0, $0x0  }
0x2e: {  	v2 =	vld.msk [tilespmem:s15+$0x0 ss:$0x1], $0xffff;
	v1 =	vnsel vm1, $0x0, v0  }
0x2f: {  	v1 =	vmin.u32 v1, $0x3FFF;
	_ =	sdelay $0x1  }
0x30: {  	s16 =	sshll.u32 s12, $0x8;
	s18 =	simm.s32 $0x20  }
0x31: {  	s16 =	sand.u32 $0x100, s16;
	s17 =	sadd.s32 $0x10, s15;
	s15 =	sor.u32 $0x200, s14  }
0x32: {  	s14 =	sor.u32 $0x200, s16;
	s16 =	sadd.s32 $0x10, s15;
	v0 =	vld.msk [tilespmem:s17+$0x0 ss:$0x1], $0xffff;
	vm1 =	vgt.s32 v2, $0x0;
	(ifvalue) =	ssetifvalue $0x7FFFFFFF  }
.LBB2_3:
0x33: {  	[tilespmem:s15], [sflag:$0x1] =	stream.indirect_vreg.gather [hbm4b:s3+s10], $0x1, v1, vm0, $0x4038;
	[tilespmem:$0x400] =	vst v63  }
0x34: {  	s18 =	sadd.s32 $0x10, s18  }
0x35: {  	v2 =	vnsel vm1, $0x0, v2;
	p1 =	slt.u32 s18, $0xF0  }
.Ltmp3:
0x36: {  	s15 =	smov.u32 s16;
	v1 =	vmin.u32 v2, $0x3FFF;
	(pc) =	sbr.rel @p1 .LBB2_3-.Ltmp3, $3  }
0x37: {  	_ =	sdelay $0x1  }
0x38: {  	s17 =	sadd.s32 $0x10, s17  }
0x39: {  	vm1 =	vgt.s32 v0, $0x0;
	s16 =	sadd.s32 $0x10, s16;
	v2 =	vmov v0;
	(ifvalue) =	ssetifvalue $0x7FFFFFFF;
	v0 =	vld.msk [tilespmem:s17+$0x0 ss:$0x1], $0xffff  }
.Ltmp4:
0x3a: {  	_ = 	snop;
	(pc) =	sbr.rel .LBB2_4-.Ltmp4, $1  }
0x3b: {  	_ =	sdelay $0x3  }
.LBB2_6:
0x3c: {  	_ =	sfence.sel $0x180000  }
0x3d: {  	s2 =	simm.s32 $0x2;
	[bflag:$0x0] =	sbarrier.arrive $0xFFFF  }
0x3e: {  	s30 =	simm.s32 $0x3;
	[sflag:s2] =	ssyncpa.u1 $0x1  }
0x3f: {  	s31 =	simm.s32 $0x1;
	[sflag:s30] =	ssyncpa.u1 $0x1  }
0x40: {  	[sflag:s31] =	ssyncpa.u1 $0x1  }
0x41: {  	p0 =	sne.s32 s1, $0x0;
	_ =	strace $0x9000004D  }
0x42: {  	s0 =	sadd.s32 @!p0 $0x100000, s0;
	[bflag:$0x2] =	sbarrier.arrive $0xFFFF  }
0x43: {  	[sflag:s0] =	ssyncadd.tile.s32 @!p0 $0x1;
	_ =	shalt  }
.Lfunc_end2:
_tile_overlayer_lowered:
.L_overlay_start_2:
0x44: {  	(tag) =	ssettag $0x2  }
0x45: {  	s0 =	rddreg [dreg:$0x0];
	s2 =	stileid.u32  }
0x46: {  	s1 =	rddreg [dreg:$0x1];
	p0 =	sne.s32 s2, $0x0  }
0x47: {  	s3 =	rddreg [dreg:$0x2];
	[bflag:$0x3] =	sbarrier.arrive $0xFFFF;
	s2 =	simm.s32 @!p0 $0x1C01  }
0x48: {  	[timem:s3], [sflag:s2] =	dma.local @!p0 [hbm:s0], s1  }
0x49: {  	s0 =	simm.s32 @!p0 $0x1  }
0x4a: {  	_ =	swait.ge @!p0 [sflag:s0], s1  }
0x4b: {  	s1 =	ssub.s32 @!p0 $0x0, s1;
	[sflag:s0] =	ssyncset.done @!p0 $0x0  }
0x4c: {  	[sflag:s0] =	ssyncadd.s32 @!p0 s1  }
0x4d: {  	[bflag:$0x3] =	sbarrier.arrive $0xFFFF  }
0x4e: {  	_ =	shalt  }

// kernel: scatter_offload_async_start
scs
__scs_entry_jumppad:
0x0: {  	(pc) =	sbr.rel $0x88, $3  }
0x1: {  	(tag) =	ssettag $0x0;
	lr =	simm.s32 $0x1  }
0x2: {  	[smem:$0x3F9B] =	sst lr;
	_ =	strace $0xD0000000  }
0x3: {  	_ = 	snop  }
0x4: {  	_ = 	snop  }
0x5: {  	_ = 	snop  }
0x6: {  	_ = 	snop  }
0x7: {  	_ = 	snop  }
__scs_overlays_trampoline_lowered:
0x8: {  	[smem:$0x3FAA] =	sst s0  }
0x9: {  	[smem:$0x3FAB] =	sst s1  }
0xa: {  	[smem:$0x3FAC] =	sst s2  }
0xb: {  	[smem:$0x3FAD] =	sst s3  }
0xc: {  	[smem:$0x3FAE] =	sst s4  }
0xd: {  	[smem:$0x3FAF] =	sst s5  }
0xe: {  	[smem:$0x3FB0] =	sst s6  }
0xf: {  	[smem:$0x3FB1] =	sst s7  }
0x10: {  	[smem:$0x3FB2] =	sst s8  }
0x11: {  	[smem:$0x3FB3] =	sst s9;
	s0 =	simm.s32 @!p0 $0x0  }
0x12: {  	s1 =	sld [smem:$0x3F99];
	s0 =	simm.s32 @p0 $0x1  }
0x13: {  	[smem:$0x3FB4] =	sst s0;
	s0 =	simm.s32 @!p1 $0x0  }
0x14: {  	s2 =	sld [smem:$0x3F98];
	s0 =	simm.s32 @p1 $0x1  }
0x15: {  	[smem:$0x3FB5] =	sst s0;
	s0 =	simm.s32 @!p2 $0x0  }
0x16: {  	s3 =	sld [smem:$0x3FDB];
	s0 =	simm.s32 @p2 $0x1  }
0x17: {  	s4 =	simm.s32 $0x1BF5;
	[smem:$0x3FB7] =	sst s0  }
0x18: {  	s0 =	sld [smem:$0x3F9A];
	_ =	swait.ge [sflag:s4], $0x0  }
0x19: {  	s7 =	sld [smem:$0x3F9B]  }
0x1a: {  	s8 =	sadd.s32 $0xFFFFE003, lr  }
0x1b: {  	s9 =	sadd.s32 $0xFFFFFEF7, lr;
	s5 =	simm.s32 $0xFFFFFFFF;
	p2 =	slt.u32 s8, $0xFFFFF086  }
0x1c: {  	p1 =	slt.u32 s9, $0xF7A;
	s5 =	simm.s32 @!p2 $0x0  }
0x1d: {  	s5 =	simm.s32 @p1 $0x1;
	p0 =	seq.s32 s7, s2  }
0x1e: {  	s7 =	smul.u32 @!p0 $0xF7A, s2;
	p2 =	seq.s32 @!p0 s5, $0x0  }
0x1f: {  	s9 =	smul.u32 $0xF7A, s1;
	s8 =	simm.s32 @!p0 $0x1BF5;
	p2 =	por !p2, p0  }
0x20: {  	[sflag:s8] =	ssyncset.s32 @!p0 $0xFFFFF086;
	s6 =	sadd.s32 @!p0 s3, s7;
	s7 =	simm.s32 @!p0 $0x108  }
0x21: {  	s3 =	sadd.s32 s3, s9;
	s6 =	sadd.s32 @!p0 $0x88, s6;
	s7 =	simm.s32 @p2 $0x1082  }
0x22: {  	[simem:s7], [sflag:s8] =	dma.local @!p0 [hbm:s6], $0xF7A  }
0x23: {  	s9 =	sor.u32 $0xD0000000, s2;
	s6 =	simm.s32 $0x108;
	_ =	swait.ge @!p0 [sflag:s8], $0x0  }
0x24: {  	s3 =	sadd.s32 $0x88, s3;
	s6 =	simm.s32 @!p1 $0x1082;
	[sflag:s4] =	ssyncset.s32 $0xFFFFF086  }
0x25: {  	[simem:s6], [sflag:s4] =	dma.local [hbm:s3], $0xF7A  }
0x26: {  	[smem:$0x3F9B] =	sst s1;
	(tag) =	ssettag s2;
	_ =	strace s9  }
0x27: {  	s1 =	sld [smem:$0x3FAB]  }
0x28: {  	s2 =	sld [smem:$0x3FAC]  }
0x29: {  	s4 =	sld [smem:$0x3FAE]  }
0x2a: {  	p0 =	seq.s32 s5, $0x0;
	s5 =	sld [smem:$0x3FAF]  }
0x2b: {  	s6 =	sld [smem:$0x3FB0]  }
0x2c: {  	s7 =	sld [smem:$0x3FB1]  }
0x2d: {  	s3 =	simm.s32 $0x108;
	s8 =	sld [smem:$0x3FB2]  }
0x2e: {  	s3 =	simm.s32 @!p0 $0x1082;
	s9 =	sld [smem:$0x3FB3]  }
0x2f: {  	lr =	sadd.s32 s0, s3;
	s0 =	sld [smem:$0x3FAA]  }
0x30: {  	s3 =	sld [smem:$0x3FAD]  }
0x31: {  	[smem:$0x3FB6] =	sst s10  }
0x32: {  	s10 =	sld [smem:$0x3FB4];
	_ =	sdelay $0x3  }
0x33: {  	p0 =	seq.s32 s10, $0x1;
	s10 =	sld [smem:$0x3FB6];
	_ =	sdelay $0x3  }
0x34: {  	[smem:$0x3FB6] =	sst s10  }
0x35: {  	s10 =	sld [smem:$0x3FB5];
	_ =	sdelay $0x3  }
0x36: {  	p1 =	seq.s32 s10, $0x1;
	s10 =	sld [smem:$0x3FB6];
	_ =	sdelay $0x3  }
0x37: {  	[smem:$0x3FB6] =	sst s10  }
0x38: {  	s10 =	sld [smem:$0x3FB7]  }
0x39: {  	_ = 	snop;
	(pc) =	sbr.ind lr, $3  }
0x3a: {  	_ = 	snop  }
0x3b: {  	_ = 	snop  }
0x3c: {  	p2 =	seq.s32 s10, $0x1;
	s10 =	sld [smem:$0x3FB6]  }
0x3d: {  	_ =	shalt  }
0x3e: {  	_ =	shalt  }
0x3f: {  	_ =	shalt  }
0x40: {  	_ =	shalt  }
0x41: {  	_ =	shalt  }
0x42: {  	_ =	shalt  }
0x43: {  	_ =	shalt  }
0x44: {  	_ =	shalt  }
0x45: {  	_ =	shalt  }
0x46: {  	_ =	shalt  }
0x47: {  	_ =	shalt  }
0x48: {  	_ =	shalt  }
0x49: {  	_ =	shalt  }
0x4a: {  	_ =	shalt  }
0x4b: {  	_ =	shalt  }
0x4c: {  	_ =	shalt  }
0x4d: {  	_ =	shalt  }
0x4e: {  	_ =	shalt  }
0x4f: {  	_ =	shalt  }
0x50: {  	_ =	shalt  }
0x51: {  	_ =	shalt  }
0x52: {  	_ =	shalt  }
0x53: {  	_ =	shalt  }
0x54: {  	_ =	shalt  }
0x55: {  	_ =	shalt  }
0x56: {  	_ =	shalt  }
0x57: {  	_ =	shalt  }
0x58: {  	_ =	shalt  }
0x59: {  	_ =	shalt  }
0x5a: {  	_ =	shalt  }
0x5b: {  	_ =	shalt  }
0x5c: {  	_ =	shalt  }
0x5d: {  	_ =	shalt  }
0x5e: {  	_ =	shalt  }
0x5f: {  	_ =	shalt  }
0x60: {  	_ =	shalt  }
0x61: {  	_ =	shalt  }
0x62: {  	_ =	shalt  }
0x63: {  	_ =	shalt  }
0x64: {  	_ =	shalt  }
0x65: {  	_ =	shalt  }
0x66: {  	_ =	shalt  }
0x67: {  	_ =	shalt  }
0x68: {  	_ =	shalt  }
0x69: {  	_ =	shalt  }
0x6a: {  	_ =	shalt  }
0x6b: {  	_ =	shalt  }
0x6c: {  	_ =	shalt  }
0x6d: {  	_ =	shalt  }
0x6e: {  	_ =	shalt  }
0x6f: {  	_ =	shalt  }
0x70: {  	_ =	shalt  }
0x71: {  	_ =	shalt  }
0x72: {  	_ =	shalt  }
0x73: {  	_ =	shalt  }
0x74: {  	_ =	shalt  }
0x75: {  	_ =	shalt  }
0x76: {  	_ =	shalt  }
0x77: {  	_ =	shalt  }
0x78: {  	_ =	shalt  }
0x79: {  	_ =	shalt  }
0x7a: {  	_ =	shalt  }
0x7b: {  	_ =	shalt  }
0x7c: {  	_ =	shalt  }
0x7d: {  	_ =	shalt  }
0x7e: {  	_ =	shalt  }
0x7f: {  	_ =	shalt  }
0x80: {  	_ =	shalt  }
0x81: {  	_ =	shalt  }
0x82: {  	_ =	shalt  }
0x83: {  	_ =	shalt  }
0x84: {  	_ =	shalt  }
0x85: {  	_ =	shalt  }
0x86: {  	_ =	shalt  }
0x87: {  	_ =	shalt  }
.Lfunc_end0:
.L_simem_size_0:
called_computation_lowered:
.L_overlay_start_0:
0x88: {  	s0 =	sld [smem:$0x3FD9]  }
0x89: {  	s1 =	sld [smem:$0x3FFE];
	_ =	sdelay $0x3  }
0x8a: {  	s0 =	sadd.s32 s1, s0  }
0x8b: {  	[smem:$0x3FC2] =	sst s0  }
0x8c: {  	_ = 	snop  }
0x8d: {  	(tm) =	ssettm $0x1  }
0x8e: {  	s15 =	sld [smem:$0x3FFB];
	_ =	sdelay $0x3  }
0x8f: {  	_ =	strace s15  }
0x90: {  	s0 =	sld [smem:$0x3FFC];
	_ =	sdelay $0x3  }
0x91: {  	_ =	strace s0  }
0x92: {  	s0 =	sld [smem:$0x3FFD];
	_ =	sdelay $0x3  }
0x93: {  	_ =	strace s0  }
0x94: {  	_ =	strace $0x8FFFFFFF  }
0x95: {  	s16 =	sld [smem:$0x3FDB];
	_ =	sdelay $0x1  }
0x96: {  	s17 =	simm.s32 $_scs_section_size  }
0x97: {  	s2 =	simm.s32 $_size__tile_overlayer_lowered;
	s3 =	simm.s32 $_tile_overlayer_lowered  }
0x98: {  	s20 =	simm.s32 $0x1BFF;
	s19 =	sshll.u32 s3, $0x1;
	s0 =	sadd.s32 s17, s16  }
0x99: {  	s4 =	simm.s32 $0x0;
	s18 =	sshll.u32 s2, $0x1;
	s2 =	sadd.s32 s19, s0  }
0x9a: {  	[timem:s4], [sflag:s20] =	dma.local [hbm:s2], s18  }
0x9b: {  	_ =	swait.ge [sflag:s20], s18  }
0x9c: {  	s1 =	ssub.s32 $0x0, s18;
	[sflag:s20] =	ssyncset.done $0x0  }
0x9d: {  	[sflag:s20] =	ssyncadd.s32 s1;
	_ =	sdelay $0x1  }
0x9e: {  	s21 =	simm.s32 $0x1B8B  }
0x9f: {  	_ =	swait.ge [sflag:s21], $0x1  }
0xa0: {  	[sflag:s21] =	ssyncset.done $0x0  }
0xa1: {  	s23 =	simm.s32 $0x1B8E;
	s22 =	sld [smem:$0x3FFE];
	[sflag:s21] =	ssyncadd.s32 $0xFFFFFFFF  }
0xa2: {  	s24 =	simm.s32 $execute0_lowered;
	[smem:$0x3FD2] =	sst s23  }
0xa3: {  	s2 =	sshll.u32 s24, $0x1;
	_ =	strace $0x80000046;
	[dreg:$0x1] =	wrdreg $0xFFFFFFFF  }
0xa4: {  	s25 =	simm.s32 $_size_execute0_lowered;
	s0 =	sadd.s32 s0, s2;
	[dreg:$0x0] =	wrdreg $0x0  }
0xa5: {  	s2 =	sshll.u32 s25, $0x1;
	[dreg:$0x2] =	wrdreg s0  }
0xa6: {  	[dreg:$0x3] =	wrdreg s2  }
0xa7: {  	[dreg:$0x4] =	wrdreg $0xC0  }
0xa8: {  	_ =	task [dreg:s4], $0x5FFFF  }
0xa9: {  	[dreg:$0x1] =	wrdreg $0xFFFFFFFF  }
0xaa: {  	[dreg:$0x0] =	wrdreg $0x60  }
0xab: {  	[dreg:$0x2] =	wrdreg s22  }
0xac: {  	[dreg:$0x3] =	wrdreg $0x9  }
0xad: {  	_ =	task.clear_ibuf [dreg:s4], $0x4FFFF;
	_ =	strace $0x90000046  }
0xae: {  	s26 =	simm.s32 $0x9;
	_ =	strace $0x80000048  }
0xaf: {  	_ =	swait.ge [sflag:s26], $0x1  }
0xb0: {  	[sflag:s26] =	ssyncadd.s32 $0xFFFFFFFF  }
0xb1: {  	_ =	strace $0x90000048  }
0xb2: {  	_ =	sfence  }
0xb3: {  	s28 =	sld [smem:$0x0];
	_ =	sdelay $0x1  }
0xb4: {  	s29 =	srdreg.scid  }
0xb5: {  	s30 =	sshll.u32 s29, $0xD;
	s31 =	sshrl.u32 s29, $0x2  }
0xb6: {  	s1 =	sand.u32 $0x1, s29;
	s2 =	sand.u32 $0x4000, s30;
	s0 =	sadd.s32 s31, s28  }
0xb7: {  	s1 =	sor.u32 s2, s1;
	s0 =	sshll.u32 s0, $0x11  }
0xb8: {  	s0 =	sor.u32 s0, s1  }
0xb9: {  	s0 =	sadd.s32 $0x8F2B, s0  }
0xba: {  	[sflag:s0] =	ssyncadd.remote.s32 $0x1  }
0xbb: {  	_ =	sfence.sel $0xFFFF  }
0xbc: {  	[dreg:$0x0] =	wrdreg $0xFFFFFFFF;
	(pc) =	sbr.abs _section_cstart, $3  }
0xbd: {  	[dreg:$0x1] =	wrdreg $0xFFFFFFFF  }
0xbe: {  	_ =	task.clear_ibuf [dreg:s4], $0x2FFFF;
	_ =	strace $0x9FFFFFFF  }
0xbf: {  	(tm) =	ssettm $0x7FFFFFFF  }
tec
execute0_lowered:
.L_overlay_start_1:
0x0: {  	(tag) =	ssettag $0x1  }
0x1: {  	s2 =	rddreg [dreg:$0x0]  }
0x2: {  	s0 =	rddreg [dreg:$0x1];
	_ =	strace $0x80000047;
	s3 =	stileid.u32  }
0x3: {  	s4 =	simm.s32 $0x3E;
	s1 =	sadd.s32 $0x5000, s2;
	p0 =	sne.s32 s3, $0x0  }
0x4: {  	[sflag:s4] =	ssyncpa.u1 $0x0;
	s5 =	simm.s32 @!p0 $0x1C3E;
	s6 =	simm.s32 @!p0 $0x0  }
0x5: {  	[spmem:s6], [sflag:s5] =	dma.local @!p0 [hbm:s1], $0x10  }
0x6: {  	s5 =	simm.s32 @!p0 $0x3E  }
0x7: {  	_ =	swait.ge @!p0 [sflag:s5], $0x10  }
0x8: {  	[sflag:s5] =	ssyncset.done @!p0 $0x0  }
0x9: {  	s26 =	simm.s32 $0x1;
	[sflag:s5] =	ssyncadd.s32 @!p0 $0xFFFFFFF0  }
0xa: {  	s29 =	simm.s32 $0x2;
	s7 =	simm.s32 $0x408;
	[bflag:$0x0] =	sbarrier.arrive $0xFFFF  }
0xb: {  	s28 =	sadd.s32 $0x2600, s2;
	s30 =	sadd.s32 $0x4800, s2;
	[sflag:s4] =	ssyncpa.u1 $0x1  }
0xc: {  	s3 =	sshll.u32 s3, $0x7;
	s2 =	simm.s32 $0x0;
	[sflag:s26] =	ssyncpa.u1 $0x0  }
0xd: {  	s4 =	sadd.s32 s28, s3;
	(ifvalue) =	ssetifvalue $0x80;
	[sflag:s29] =	ssyncpa.u1 $0x0  }
0xe: {  	[tilespmem:s7], [sflag:$0x2] =	stream.linear.gather [hbm4b:s4+s2], $0x400, $0x38;
	[tilespmem:$0x1008] =	vst v63  }
0xf: {  	s31 =	sadd.s32 s30, s3;
	s3 =	simm.s32 $0xC08  }
0x10: {  	[tilespmem:s3], [sflag:$0x2] =	stream.linear.gather [hbm4b:s31+s2], $0x400, $0x38;
	[tilespmem:$0x1008] =	vst v63  }
0x11: {  	_ =	swait.ge [sflag:s29], $0x800  }
0x12: {  	[sflag:s29] =	ssyncset.done $0x0  }
0x13: {  	[sflag:s29] =	ssyncadd.s32 $0xFFFFF800  }
0x14: {  	v0 =	vld.msk [tilespmem:s7+$0x0 ss:$0x1], $0xffff;
	_ =	sdelay $0x4  }
0x15: {  	v0 =	vmin.u32 v0, $0x80;
	_ =	sdelay $0x3  }
0x16: {  	vm0 =	vmmov $0xffff;
	s5 =	simm.s32 $0x418;
	s4 =	simm.s32 $0x0  }
0x17: {  	[spmem:s2] =	stream.indirect_vreg.scatter.add.s32 [tilespmem:s3], [sflag:$0x1], $0x1, v0, vm0, $0x4038;
	[tilespmem:$0x1008] =	vst v63  }
.LBB2_1:
0x18: {  	v0 =	vld.msk [tilespmem:s5+$0x0 ss:$0x1], $0xffff;
	s4 =	sadd.s32 $0x10, s4  }
0x19: {  	p1 =	slt.u32 s4, $0x3F0;
	_ =	sdelay $0x4  }
0x1a: {  	v0 =	vmin.u32 v0, $0x80  }
.Ltmp0:
0x1b: {  	(pc) =	sbr.rel @p1 .LBB2_1-.Ltmp0, $3  }
0x1c: {  	_ =	sdelay $0x1  }
0x1d: {  	s5 =	sadd.s32 $0x10, s5;
	s3 =	sadd.s32 $0x10, s3  }
0x1e: {  	[spmem:s2] =	stream.indirect_vreg.scatter.add.s32 [tilespmem:s3], [sflag:$0x1], $0x1, v0, vm0, $0x4038;
	[tilespmem:$0x1008] =	vst v63  }
0x1f: {  	s2 =	simm.s32 $0x1  }
0x20: {  	_ =	swait.ge [sflag:s2], $0x400  }
0x21: {  	[sflag:s2] =	ssyncset.done $0x0  }
0x22: {  	[sflag:s2] =	ssyncadd.s32 $0xFFFFFC00  }
0x23: {  	_ =	sfence.sel $0x180000  }
0x24: {  	s3 =	simm.s32 $0x2;
	[bflag:$0x0] =	sbarrier.arrive $0xFFFF  }
0x25: {  	[sflag:s3] =	ssyncpa.u1 $0x1  }
0x26: {  	[sflag:s2] =	ssyncpa.u1 $0x1  }
0x27: {  	_ =	sfence.stream.spmem  }
0x28: {  	s31 =	simm.s32 $0x3D;
	[bflag:$0x0] =	sbarrier.arrive $0xFFFF  }
0x29: {  	s2 =	simm.s32 @p0 $0x3D;
	[sflag:s31] =	ssyncpa.u1 $0x0  }
0x2a: {  	[sflag:s2] =	ssyncpa.u1 @p0 $0x1  }
0x2b: {  	[bflag:$0x0] =	sbarrier.arrive @p0 $0xFFFF  }
0x2c: {  	_ =	strace @p0 $0x90000047  }
0x2d: {  	s3 =	simm.s32 @!p0 $0x1C3D;
	s2 =	simm.s32 @!p0 $0x0;
	[bflag:$0x2] =	sbarrier.arrive @p0 $0xFFFF  }
0x2e: {  	[hbm:s1], [sflag:s3] =	dma.local @!p0 [spmem:s2], $0x10  }
0x2f: {  	s1 =	simm.s32 @!p0 $0x3D  }
0x30: {  	_ =	swait.ge @!p0 [sflag:s1], $0x10  }
0x31: {  	[sflag:s1] =	ssyncset.done @!p0 $0x0  }
0x32: {  	[sflag:s1] =	ssyncadd.s32 @!p0 $0xFFFFFFF0  }
0x33: {  	[sflag:s1] =	ssyncpa.u1 @!p0 $0x1  }
0x34: {  	[bflag:$0x0] =	sbarrier.arrive @!p0 $0xFFFF  }
0x35: {  	_ =	strace @!p0 $0x90000047  }
0x36: {  	s0 =	sadd.s32 @!p0 $0x100000, s0;
	[bflag:$0x2] =	sbarrier.arrive @!p0 $0xFFFF  }
0x37: {  	[sflag:s0] =	ssyncadd.tile.s32 @!p0 $0x1;
	_ =	shalt  }
.Lfunc_end2:
_tile_overlayer_lowered:
.L_overlay_start_2:
0x38: {  	(tag) =	ssettag $0x2  }
0x39: {  	s0 =	rddreg [dreg:$0x0];
	s2 =	stileid.u32  }
0x3a: {  	s1 =	rddreg [dreg:$0x1];
	p0 =	sne.s32 s2, $0x0  }
0x3b: {  	s3 =	rddreg [dreg:$0x2];
	[bflag:$0x3] =	sbarrier.arrive $0xFFFF;
	s2 =	simm.s32 @!p0 $0x1C01  }
0x3c: {  	[timem:s3], [sflag:s2] =	dma.local @!p0 [hbm:s0], s1  }
0x3d: {  	s0 =	simm.s32 @!p0 $0x1  }
0x3e: {  	_ =	swait.ge @!p0 [sflag:s0], s1  }
0x3f: {  	s1 =	ssub.s32 @!p0 $0x0, s1;
	[sflag:s0] =	ssyncset.done @!p0 $0x0  }
0x40: {  	[sflag:s0] =	ssyncadd.s32 @!p0 s1  }
0x41: {  	[bflag:$0x3] =	sbarrier.arrive $0xFFFF  }
0x42: {  	_ =	shalt  }

</sc_bundles>
